<compile_context>
chip_gen: v7x
topology: tpu7x:2x2x1
jax: 0.10.2.dev20260603
libtpu: 0.0.44.dev20260713+nightly
codegen_flags: <defaults>
</compile_context>

<pallas_src>
import functools

import jax
import jax.numpy as jnp
from jax import lax
from jax.experimental import pallas as pl
from jax.experimental.pallas import tpu as pltpu
from jax.experimental.pallas import tpu_sc as plsc

N_ROWS = 32768
DIM = 256
N_CODES = 8192
CCOST = 0.25

BR = 512

NW = 32
BPW = N_ROWS // NW
CH = 128
NCH = BPW // CH


SEG_BOUNDS = (0, 2736, 5472, N_CODES)


def _dist_argmin_body(x_ref, wb_ref, wsq_ref, idx_ref, dsum_ref):
    i = pl.program_id(0)
    x = x_ref[...]
    dot = lax.dot_general(x.astype(jnp.bfloat16), wb_ref[...],
                          (((1,), (1,)), ((), ())),
                          preferred_element_type=jnp.float32)
    xsq = jnp.sum(x * x, axis=1)
    d = (xsq[:, None] + wsq_ref[...][None, :]) - 2.0 * dot
    acc_v = None
    for s0, s1 in zip(SEG_BOUNDS[:-1], SEG_BOUNDS[1:]):
        ds = d[:, s0:s1]
        m = jnp.min(ds, axis=1)
        iota = lax.broadcasted_iota(jnp.int32, (BR, s1 - s0), 1) + s0
        a = jnp.min(jnp.where(ds == m[:, None], iota, N_CODES), axis=1)
        if acc_v is None:
            acc_v, acc_i, sel_v = m, a, m
        else:
            better = m < acc_v
            acc_i = jnp.where(better, a, acc_i)
            sel_v = jnp.where(better, m, sel_v)
            acc_v = jnp.where(better, m, acc_v)
        acc_v = acc_v.astype(jnp.bfloat16).astype(jnp.float32)
    idx_ref[...] = acc_i
    partial = jnp.sum(sel_v)

    @pl.when(i == 0)
    def _():
        dsum_ref[0, 0] = partial

    @pl.when(i > 0)
    def _():
        dsum_ref[0, 0] = dsum_ref[0, 0] + partial


def _wsq_body(w_ref, wsq_ref):
    w = w_ref[...]
    wsq_ref[...] = jnp.sum(w * w, axis=1)


def _dist_argmin(x, w):
    wsq = pl.pallas_call(
        _wsq_body,
        out_shape=jax.ShapeDtypeStruct((N_CODES,), jnp.float32),
    )(w)
    wb = w.astype(jnp.bfloat16)
    ni = N_ROWS // BR
    return pl.pallas_call(
        _dist_argmin_body,
        grid=(ni,),
        in_specs=[
            pl.BlockSpec((BR, DIM), lambda i: (i, 0)),
            pl.BlockSpec((N_CODES, DIM), lambda i: (0, 0)),
            pl.BlockSpec((N_CODES,), lambda i: (0,)),
        ],
        out_specs=[
            pl.BlockSpec((BR,), lambda i: (i,)),
            pl.BlockSpec((1, 1), lambda i: (0, 0), memory_space=pltpu.SMEM),
        ],
        out_shape=[
            jax.ShapeDtypeStruct((N_ROWS,), jnp.int32),
            jax.ShapeDtypeStruct((1, 1), jnp.float32),
        ],
        compiler_params=pltpu.CompilerParams(
            dimension_semantics=("arbitrary",)),
    )(x, wb, wsq)


def _sc_body(table_hbm, idx_hbm, out_hbm, counts_hbm, idx_v, rows_v, bins_v,
             sem):
    wid = lax.axis_index("s") * 2 + lax.axis_index("c")

    def zbody(i, _):
        bins_v[pl.ds(i * 16, 16)] = jnp.zeros((16,), jnp.float32)
        return 0

    lax.fori_loop(0, N_CODES // 16, zbody, 0)

    base_w = wid * BPW
    for c in range(NCH):
        base = base_w + c * CH
        pltpu.sync_copy(idx_hbm.at[pl.ds(base, CH)], idx_v)
        pltpu.async_copy(table_hbm.at[idx_v], rows_v, sem).wait()
        pltpu.sync_copy(rows_v, out_hbm.at[pl.ds(base, CH)])

        def hbody(i, _):
            v = idx_v[pl.ds(i * 16, 16)]
            plsc.addupdate_scatter(bins_v, [v], jnp.ones((16,), jnp.float32))
            return 0

        lax.fori_loop(0, CH // 16, hbody, 0)

    pltpu.sync_copy(bins_v, counts_hbm.at[wid])


def _sc_gather_hist(table, idx):
    mesh = plsc.VectorSubcoreMesh(core_axis_name="c", subcore_axis_name="s")
    fn = functools.partial(
        pl.kernel,
        mesh=mesh,
        out_type=[
            jax.ShapeDtypeStruct((N_ROWS, DIM), jnp.float32),
            jax.ShapeDtypeStruct((NW, N_CODES), jnp.float32),
        ],
        scratch_types=[
            pltpu.VMEM((CH,), jnp.int32),
            pltpu.VMEM((CH, DIM), jnp.float32),
            pltpu.VMEM((N_CODES,), jnp.float32),
            pltpu.SemaphoreType.DMA,
        ],
        compiler_params=pltpu.CompilerParams(needs_layout_passes=False),
    )(_sc_body)
    return fn(table, idx)


def _finalize_body(counts_ref, dsum_ref, loss_ref, perp_ref):
    counts = jnp.sum(counts_ref[...], axis=0)
    probs = counts * (1.0 / N_ROWS)
    ent = -jnp.sum(probs * jnp.log(probs + 1e-10))
    perp_ref[0, 0] = jnp.exp(ent)
    loss_ref[0, 0] = CCOST * dsum_ref[0, 0] / (N_ROWS * DIM)


def _finalize(counts, dsum):
    return pl.pallas_call(
        _finalize_body,
        in_specs=[
            pl.BlockSpec((NW, N_CODES), lambda: (0, 0)),
            pl.BlockSpec(memory_space=pltpu.SMEM),
        ],
        out_specs=[
            pl.BlockSpec(memory_space=pltpu.SMEM),
            pl.BlockSpec(memory_space=pltpu.SMEM),
        ],
        out_shape=[
            jax.ShapeDtypeStruct((1, 1), jnp.float32),
            jax.ShapeDtypeStruct((1, 1), jnp.float32),
        ],
    )(counts, dsum)


def kernel(inputs, embedding_weight):
    x = jnp.transpose(inputs, (0, 2, 3, 1)).reshape(N_ROWS, DIM)
    indices, dsum = _dist_argmin(x, embedding_weight)
    qflat, counts = _sc_gather_hist(embedding_weight, indices)
    loss, perp = _finalize(counts, dsum)
    q = qflat.reshape(8, 64, 64, DIM).transpose(0, 3, 1, 2)
    return (loss.reshape(()), q, perp.reshape(()), indices)

# --- scband reference (transcript-rebuilt; emitter-appended) ---
"""Pipeline reference for scband-vector-quantizer-ema-5274219840274 (READ-ONLY COPY).

The authoritative reference and input builder live on the scoring server;
editing this copy changes nothing except your own understanding.
"""

import jax, jax.numpy as jnp
import numpy as np

NUM_EMBEDDINGS = 8192
EMBEDDING_DIM = 256
COMMITMENT_COST = 0.25


def setup_inputs(seed: int = 0) -> dict:
    key = jax.random.key(seed)
    k1, k2 = jax.random.split(key)
    inputs = jax.random.normal(k1, (8, 256, 64, 64), dtype=jnp.float32)
    embedding_weight = jax.random.normal(k2, (NUM_EMBEDDINGS, EMBEDDING_DIM), dtype=jnp.float32)
    return {"inputs": inputs, "embedding_weight": embedding_weight}


def reference(inputs, embedding_weight):
    # permute (B, C, H, W) -> (B, H, W, C)
    x = jnp.transpose(inputs, (0, 2, 3, 1))
    input_shape = x.shape
    flat_input = x.reshape(-1, EMBEDDING_DIM)
    # squared L2 distances to all codebook entries
    distances = (jnp.sum(flat_input ** 2, axis=1, keepdims=True)
                 + jnp.sum(embedding_weight ** 2, axis=1)
                 - 2.0 * jnp.matmul(flat_input, embedding_weight.T))
    indices = jnp.argmin(distances, axis=1)
    encodings = jax.nn.one_hot(indices, NUM_EMBEDDINGS, dtype=jnp.float32)
    indices2quantized = jnp.matmul(encodings, embedding_weight)
    quantized = indices2quantized.reshape(input_shape)
    # eval-mode forward (no EMA buffer updates)
    e_latent_loss = jnp.mean((jax.lax.stop_gradient(quantized) - x) ** 2)
    loss = COMMITMENT_COST * e_latent_loss
    quantized_st = x + jax.lax.stop_gradient(quantized - x)
    avg_probs = jnp.mean(encodings, axis=0)
    perplexity = jnp.exp(-jnp.sum(avg_probs * jnp.log(avg_probs + 1e-10)))
    return (loss, jnp.transpose(quantized_st, (0, 3, 1, 2)), perplexity, indices)

if __name__ == "__main__":
    import jax
    _d = setup_inputs()
    print(jax.jit(kernel)(*tuple(_d.values())))

</pallas_src>

<mosaic_0001>
#map = affine_map<(d0, d1) -> (0, 0)>
#map1 = affine_map<(d0, d1) -> (0)>
module attributes {stable_mosaic.version = 14 : i64} {
  func.func @_sc_body(%arg0: i32, %arg1: i32, %arg2: memref<8192x256xf32, #tpu.memory_space<hbm>>, %arg3: memref<32768xi32, #tpu.memory_space<hbm>>, %arg4: memref<32768x256xf32, #tpu.memory_space<hbm>>, %arg5: memref<32x8192xf32, #tpu.memory_space<hbm>>, %arg6: memref<128xi32, #tpu.memory_space<vmem>>, %arg7: memref<128x256xf32, #tpu.memory_space<vmem>>, %arg8: memref<8192xf32, #tpu.memory_space<vmem>>, %arg9: memref<!tpu.dma_semaphore, #tpu.memory_space<semaphore_mem>>) attributes {dimension_semantics = [#tpu.dimension_semantics<core_parallel>, #tpu.dimension_semantics<subcore_parallel>], iteration_bounds = array<i64: 2, 16>, scalar_prefetch = 0 : i64, scratch_operands = 4 : i64, tpu.core_type = #tpu.core_type<sc_vector_subcore>, window_params = [{transform_indices = #map}, {transform_indices = #map1}, {transform_indices = #map}, {transform_indices = #map}]} {
    %mul3A = arith.constant 2 : i32
    %mul3A_0 = arith.muli %arg1, %mul3A : i32
    %add3A = arith.addi %mul3A_0, %arg0 : i32
    %scan3A = arith.constant 0 : i32
    %scan3A_1 = arith.constant 0 : i32
    %scan3A_2 = arith.constant 512 : i32
    %scan3A_3 = arith.addi %scan3A_1, %scan3A_2 : i32
    %scan3A_4 = arith.constant 1 : i32
    %scan3A_5 = scf.for %scan3A_127 = %scan3A_1 to %scan3A_3 step %scan3A_4 iter_args(%scan3A_128 = %scan3A) -> (i32)  : i32 {
      %broadcast_in_dim3A = arith.constant 0.000000e+00 : f32
      %broadcast_in_dim3A_129 = vector.broadcast %broadcast_in_dim3A : f32 to vector<16xf32>
      %mul3A_130 = arith.constant 16 : i32
      %mul3A_131 = arith.muli %scan3A_127, %mul3A_130 : i32
      %swap3A = arith.index_cast %mul3A_131 : i32 to index
      %swap3A_132 = tpu.vector_load %arg8[%swap3A] {strides = array<i32>} : memref<8192xf32, #tpu.memory_space<vmem>>, vector<16xf32>,
      tpu.vector_store %arg8[%swap3A], %broadcast_in_dim3A_129 {strides = array<i32>} : memref<8192xf32, #tpu.memory_space<vmem>>, vector<16xf32>,
      %scan3A_133 = arith.constant 0 : i32
      scf.yield %scan3A_133 : i32
    }
    %scan3A_6 = arith.constant 512 : i32
    %mul3A_7 = arith.constant 1024 : i32
    %mul3A_8 = arith.muli %add3A, %mul3A_7 : i32
    %add3A_9 = arith.constant 0 : i32
    %add3A_10 = arith.addi %mul3A_8, %add3A_9 : i32
    "tpu.region"() ({
      %run_scoped3A = tpu.sem_alloc : memref<!tpu.dma_semaphore, #tpu.memory_space<semaphore_mem>>
      %dma_start3A_127 = tpu.memref_slice %arg3[%add3A_10] : memref<32768xi32, #tpu.memory_space<hbm>> -> memref<128xi32, #tpu.memory_space<hbm>>
      %dma_start3A_128 = tpu.memref_slice %arg3[%add3A_10] : memref<32768xi32, #tpu.memory_space<hbm>> -> memref<128xi32, #tpu.memory_space<hbm>>
      tpu.enqueue_dma source(%dma_start3A_128 : memref<128xi32, #tpu.memory_space<hbm>>) target(%arg6 : memref<128xi32, #tpu.memory_space<vmem>>) target_semaphore(%run_scoped3A : memref<!tpu.dma_semaphore, #tpu.memory_space<semaphore_mem>>)
      %dma_wait3A_129 = tpu.memref_slice %arg3[%add3A_10] : memref<32768xi32, #tpu.memory_space<hbm>> -> memref<128xi32, #tpu.memory_space<hbm>>
      %dma_wait3A_130 = tpu.memref_slice %arg3[%add3A_10] : memref<32768xi32, #tpu.memory_space<hbm>> -> memref<128xi32, #tpu.memory_space<hbm>>
      tpu.wait_dma2 semaphore(%run_scoped3A : memref<!tpu.dma_semaphore, #tpu.memory_space<semaphore_mem>>) src(%dma_wait3A_130 : memref<128xi32, #tpu.memory_space<hbm>>) dst(%arg6 : memref<128xi32, #tpu.memory_space<vmem>>)
      tpu.yield
    }) : () -> ()
    %dma_start3A = arith.constant 0 : i32
    %dma_start3A_11 = arith.constant 0 : i32
    %dma_start3A_12 = tpu.memref_slice %arg2[%dma_start3A, %dma_start3A_11] : memref<8192x256xf32, #tpu.memory_space<hbm>> -> memref<8192x256xf32, #tpu.memory_space<hbm>>
    tpu.enqueue_indirect_dma source(%dma_start3A_12 : memref<8192x256xf32, #tpu.memory_space<hbm>>) target(%arg7 : memref<128x256xf32, #tpu.memory_space<vmem>>) offsets(%arg6 : memref<128xi32, #tpu.memory_space<vmem>>) semaphore(%arg9 : memref<!tpu.dma_semaphore, #tpu.memory_space<semaphore_mem>>)
    %dma_wait3A = arith.constant 0 : i32
    %dma_wait3A_13 = arith.constant 0 : i32
    %dma_wait3A_14 = tpu.memref_slice %arg2[%dma_wait3A, %dma_wait3A_13] : memref<8192x256xf32, #tpu.memory_space<hbm>> -> memref<8192x256xf32, #tpu.memory_space<hbm>>
    tpu.wait_indirect_dma semaphore(%arg9 : memref<!tpu.dma_semaphore, #tpu.memory_space<semaphore_mem>>) src(%dma_wait3A_14 : memref<8192x256xf32, #tpu.memory_space<hbm>>) dst(%arg7 : memref<128x256xf32, #tpu.memory_space<vmem>>)
    "tpu.region"() ({
      %run_scoped3A = tpu.sem_alloc : memref<!tpu.dma_semaphore, #tpu.memory_space<semaphore_mem>>
      %dma_start3A_127 = arith.constant 0 : i32
      %dma_start3A_128 = tpu.memref_slice %arg4[%add3A_10, %dma_start3A_127] : memref<32768x256xf32, #tpu.memory_space<hbm>> -> memref<128x256xf32, #tpu.memory_space<hbm>>
      %dma_start3A_129 = arith.constant 0 : i32
      %dma_start3A_130 = tpu.memref_slice %arg4[%add3A_10, %dma_start3A_129] : memref<32768x256xf32, #tpu.memory_space<hbm>> -> memref<128x256xf32, #tpu.memory_space<hbm>>
      tpu.enqueue_dma source(%arg7 : memref<128x256xf32, #tpu.memory_space<vmem>>) target(%dma_start3A_130 : memref<128x256xf32, #tpu.memory_space<hbm>>) target_semaphore(%run_scoped3A : memref<!tpu.dma_semaphore, #tpu.memory_space<semaphore_mem>>)
      %dma_wait3A_131 = arith.constant 0 : i32
      %dma_wait3A_132 = tpu.memref_slice %arg4[%add3A_10, %dma_wait3A_131] : memref<32768x256xf32, #tpu.memory_space<hbm>> -> memref<128x256xf32, #tpu.memory_space<hbm>>
      %dma_wait3A_133 = arith.constant 0 : i32
      %dma_wait3A_134 = tpu.memref_slice %arg4[%add3A_10, %dma_wait3A_133] : memref<32768x256xf32, #tpu.memory_space<hbm>> -> memref<128x256xf32, #tpu.memory_space<hbm>>
      tpu.wait_dma2 semaphore(%run_scoped3A : memref<!tpu.dma_semaphore, #tpu.memory_space<semaphore_mem>>) src(%arg7 : memref<128x256xf32, #tpu.memory_space<vmem>>) dst(%dma_wait3A_134 : memref<128x256xf32, #tpu.memory_space<hbm>>)
      tpu.yield
    }) : () -> ()
    %scan3A_15 = arith.constant 0 : i32
    %scan3A_16 = arith.constant 0 : i32
    %scan3A_17 = arith.constant 8 : i32
    %scan3A_18 = arith.addi %scan3A_16, %scan3A_17 : i32
    %scan3A_19 = arith.constant 1 : i32
    %scan3A_20 = scf.for %scan3A_127 = %scan3A_16 to %scan3A_18 step %scan3A_19 iter_args(%scan3A_128 = %scan3A_15) -> (i32)  : i32 {
      %mul3A_129 = arith.constant 16 : i32
      %mul3A_130 = arith.muli %scan3A_127, %mul3A_129 : i32
      %get3A = arith.index_cast %mul3A_130 : i32 to index
      %get3A_131 = tpu.vector_load %arg6[%get3A] {strides = array<i32>} : memref<128xi32, #tpu.memory_space<vmem>>, vector<16xi32>,
      %broadcast_in_dim3A = arith.constant 1.000000e+00 : f32
      %broadcast_in_dim3A_132 = vector.broadcast %broadcast_in_dim3A : f32 to vector<16xf32>
      tpu.vector_store_idx %arg8[%get3A_131], %broadcast_in_dim3A_132 {add = true} : memref<8192xf32, #tpu.memory_space<vmem>>[vector<16xi32>], vector<16xf32>,
      %scan3A_133 = arith.constant 0 : i32
      scf.yield %scan3A_133 : i32
    }
    %scan3A_21 = arith.constant 8 : i32
    %add3A_22 = arith.constant 128 : i32
    %add3A_23 = arith.addi %mul3A_8, %add3A_22 : i32
    "tpu.region"() ({
      %run_scoped3A = tpu.sem_alloc : memref<!tpu.dma_semaphore, #tpu.memory_space<semaphore_mem>>
      %dma_start3A_127 = tpu.memref_slice %arg3[%add3A_23] : memref<32768xi32, #tpu.memory_space<hbm>> -> memref<128xi32, #tpu.memory_space<hbm>>
      %dma_start3A_128 = tpu.memref_slice %arg3[%add3A_23] : memref<32768xi32, #tpu.memory_space<hbm>> -> memref<128xi32, #tpu.memory_space<hbm>>
      tpu.enqueue_dma source(%dma_start3A_128 : memref<128xi32, #tpu.memory_space<hbm>>) target(%arg6 : memref<128xi32, #tpu.memory_space<vmem>>) target_semaphore(%run_scoped3A : memref<!tpu.dma_semaphore, #tpu.memory_space<semaphore_mem>>)
      %dma_wait3A_129 = tpu.memref_slice %arg3[%add3A_23] : memref<32768xi32, #tpu.memory_space<hbm>> -> memref<128xi32, #tpu.memory_space<hbm>>
      %dma_wait3A_130 = tpu.memref_slice %arg3[%add3A_23] : memref<32768xi32, #tpu.memory_space<hbm>> -> memref<128xi32, #tpu.memory_space<hbm>>
      tpu.wait_dma2 semaphore(%run_scoped3A : memref<!tpu.dma_semaphore, #tpu.memory_space<semaphore_mem>>) src(%dma_wait3A_130 : memref<128xi32, #tpu.memory_space<hbm>>) dst(%arg6 : memref<128xi32, #tpu.memory_space<vmem>>)
      tpu.yield
    }) : () -> ()
    %dma_start3A_24 = arith.constant 0 : i32
    %dma_start3A_25 = arith.constant 0 : i32
    %dma_start3A_26 = tpu.memref_slice %arg2[%dma_start3A_24, %dma_start3A_25] : memref<8192x256xf32, #tpu.memory_space<hbm>> -> memref<8192x256xf32, #tpu.memory_space<hbm>>
    tpu.enqueue_indirect_dma source(%dma_start3A_26 : memref<8192x256xf32, #tpu.memory_space<hbm>>) target(%arg7 : memref<128x256xf32, #tpu.memory_space<vmem>>) offsets(%arg6 : memref<128xi32, #tpu.memory_space<vmem>>) semaphore(%arg9 : memref<!tpu.dma_semaphore, #tpu.memory_space<semaphore_mem>>)
    %dma_wait3A_27 = arith.constant 0 : i32
    %dma_wait3A_28 = arith.constant 0 : i32
    %dma_wait3A_29 = tpu.memref_slice %arg2[%dma_wait3A_27, %dma_wait3A_28] : memref<8192x256xf32, #tpu.memory_space<hbm>> -> memref<8192x256xf32, #tpu.memory_space<hbm>>
    tpu.wait_indirect_dma semaphore(%arg9 : memref<!tpu.dma_semaphore, #tpu.memory_space<semaphore_mem>>) src(%dma_wait3A_29 : memref<8192x256xf32, #tpu.memory_space<hbm>>) dst(%arg7 : memref<128x256xf32, #tpu.memory_space<vmem>>)
    "tpu.region"() ({
      %run_scoped3A = tpu.sem_alloc : memref<!tpu.dma_semaphore, #tpu.memory_space<semaphore_mem>>
      %dma_start3A_127 = arith.constant 0 : i32
      %dma_start3A_128 = tpu.memref_slice %arg4[%add3A_23, %dma_start3A_127] : memref<32768x256xf32, #tpu.memory_space<hbm>> -> memref<128x256xf32, #tpu.memory_space<hbm>>
      %dma_start3A_129 = arith.constant 0 : i32
      %dma_start3A_130 = tpu.memref_slice %arg4[%add3A_23, %dma_start3A_129] : memref<32768x256xf32, #tpu.memory_space<hbm>> -> memref<128x256xf32, #tpu.memory_space<hbm>>
      tpu.enqueue_dma source(%arg7 : memref<128x256xf32, #tpu.memory_space<vmem>>) target(%dma_start3A_130 : memref<128x256xf32, #tpu.memory_space<hbm>>) target_semaphore(%run_scoped3A : memref<!tpu.dma_semaphore, #tpu.memory_space<semaphore_mem>>)
      %dma_wait3A_131 = arith.constant 0 : i32
      %dma_wait3A_132 = tpu.memref_slice %arg4[%add3A_23, %dma_wait3A_131] : memref<32768x256xf32, #tpu.memory_space<hbm>> -> memref<128x256xf32, #tpu.memory_space<hbm>>
      %dma_wait3A_133 = arith.constant 0 : i32
      %dma_wait3A_134 = tpu.memref_slice %arg4[%add3A_23, %dma_wait3A_133] : memref<32768x256xf32, #tpu.memory_space<hbm>> -> memref<128x256xf32, #tpu.memory_space<hbm>>
      tpu.wait_dma2 semaphore(%run_scoped3A : memref<!tpu.dma_semaphore, #tpu.memory_space<semaphore_mem>>) src(%arg7 : memref<128x256xf32, #tpu.memory_space<vmem>>) dst(%dma_wait3A_134 : memref<128x256xf32, #tpu.memory_space<hbm>>)
      tpu.yield
    }) : () -> ()
    %scan3A_30 = arith.constant 0 : i32
    %scan3A_31 = arith.constant 0 : i32
    %scan3A_32 = arith.constant 8 : i32
    %scan3A_33 = arith.addi %scan3A_31, %scan3A_32 : i32
    %scan3A_34 = arith.constant 1 : i32
    %scan3A_35 = scf.for %scan3A_127 = %scan3A_31 to %scan3A_33 step %scan3A_34 iter_args(%scan3A_128 = %scan3A_30) -> (i32)  : i32 {
      %mul3A_129 = arith.constant 16 : i32
      %mul3A_130 = arith.muli %scan3A_127, %mul3A_129 : i32
      %get3A = arith.index_cast %mul3A_130 : i32 to index
      %get3A_131 = tpu.vector_load %arg6[%get3A] {strides = array<i32>} : memref<128xi32, #tpu.memory_space<vmem>>, vector<16xi32>,
      %broadcast_in_dim3A = arith.constant 1.000000e+00 : f32
      %broadcast_in_dim3A_132 = vector.broadcast %broadcast_in_dim3A : f32 to vector<16xf32>
      tpu.vector_store_idx %arg8[%get3A_131], %broadcast_in_dim3A_132 {add = true} : memref<8192xf32, #tpu.memory_space<vmem>>[vector<16xi32>], vector<16xf32>,
      %scan3A_133 = arith.constant 0 : i32
      scf.yield %scan3A_133 : i32
    }
    %scan3A_36 = arith.constant 8 : i32
    %add3A_37 = arith.constant 256 : i32
    %add3A_38 = arith.addi %mul3A_8, %add3A_37 : i32
    "tpu.region"() ({
      %run_scoped3A = tpu.sem_alloc : memref<!tpu.dma_semaphore, #tpu.memory_space<semaphore_mem>>
      %dma_start3A_127 = tpu.memref_slice %arg3[%add3A_38] : memref<32768xi32, #tpu.memory_space<hbm>> -> memref<128xi32, #tpu.memory_space<hbm>>
      %dma_start3A_128 = tpu.memref_slice %arg3[%add3A_38] : memref<32768xi32, #tpu.memory_space<hbm>> -> memref<128xi32, #tpu.memory_space<hbm>>
      tpu.enqueue_dma source(%dma_start3A_128 : memref<128xi32, #tpu.memory_space<hbm>>) target(%arg6 : memref<128xi32, #tpu.memory_space<vmem>>) target_semaphore(%run_scoped3A : memref<!tpu.dma_semaphore, #tpu.memory_space<semaphore_mem>>)
      %dma_wait3A_129 = tpu.memref_slice %arg3[%add3A_38] : memref<32768xi32, #tpu.memory_space<hbm>> -> memref<128xi32, #tpu.memory_space<hbm>>
      %dma_wait3A_130 = tpu.memref_slice %arg3[%add3A_38] : memref<32768xi32, #tpu.memory_space<hbm>> -> memref<128xi32, #tpu.memory_space<hbm>>
      tpu.wait_dma2 semaphore(%run_scoped3A : memref<!tpu.dma_semaphore, #tpu.memory_space<semaphore_mem>>) src(%dma_wait3A_130 : memref<128xi32, #tpu.memory_space<hbm>>) dst(%arg6 : memref<128xi32, #tpu.memory_space<vmem>>)
      tpu.yield
    }) : () -> ()
    %dma_start3A_39 = arith.constant 0 : i32
    %dma_start3A_40 = arith.constant 0 : i32
    %dma_start3A_41 = tpu.memref_slice %arg2[%dma_start3A_39, %dma_start3A_40] : memref<8192x256xf32, #tpu.memory_space<hbm>> -> memref<8192x256xf32, #tpu.memory_space<hbm>>
    tpu.enqueue_indirect_dma source(%dma_start3A_41 : memref<8192x256xf32, #tpu.memory_space<hbm>>) target(%arg7 : memref<128x256xf32, #tpu.memory_space<vmem>>) offsets(%arg6 : memref<128xi32, #tpu.memory_space<vmem>>) semaphore(%arg9 : memref<!tpu.dma_semaphore, #tpu.memory_space<semaphore_mem>>)
    %dma_wait3A_42 = arith.constant 0 : i32
    %dma_wait3A_43 = arith.constant 0 : i32
    %dma_wait3A_44 = tpu.memref_slice %arg2[%dma_wait3A_42, %dma_wait3A_43] : memref<8192x256xf32, #tpu.memory_space<hbm>> -> memref<8192x256xf32, #tpu.memory_space<hbm>>
    tpu.wait_indirect_dma semaphore(%arg9 : memref<!tpu.dma_semaphore, #tpu.memory_space<semaphore_mem>>) src(%dma_wait3A_44 : memref<8192x256xf32, #tpu.memory_space<hbm>>) dst(%arg7 : memref<128x256xf32, #tpu.memory_space<vmem>>)
    "tpu.region"() ({
      %run_scoped3A = tpu.sem_alloc : memref<!tpu.dma_semaphore, #tpu.memory_space<semaphore_mem>>
      %dma_start3A_127 = arith.constant 0 : i32
      %dma_start3A_128 = tpu.memref_slice %arg4[%add3A_38, %dma_start3A_127] : memref<32768x256xf32, #tpu.memory_space<hbm>> -> memref<128x256xf32, #tpu.memory_space<hbm>>
      %dma_start3A_129 = arith.constant 0 : i32
      %dma_start3A_130 = tpu.memref_slice %arg4[%add3A_38, %dma_start3A_129] : memref<32768x256xf32, #tpu.memory_space<hbm>> -> memref<128x256xf32, #tpu.memory_space<hbm>>
      tpu.enqueue_dma source(%arg7 : memref<128x256xf32, #tpu.memory_space<vmem>>) target(%dma_start3A_130 : memref<128x256xf32, #tpu.memory_space<hbm>>) target_semaphore(%run_scoped3A : memref<!tpu.dma_semaphore, #tpu.memory_space<semaphore_mem>>)
      %dma_wait3A_131 = arith.constant 0 : i32
      %dma_wait3A_132 = tpu.memref_slice %arg4[%add3A_38, %dma_wait3A_131] : memref<32768x256xf32, #tpu.memory_space<hbm>> -> memref<128x256xf32, #tpu.memory_space<hbm>>
      %dma_wait3A_133 = arith.constant 0 : i32
      %dma_wait3A_134 = tpu.memref_slice %arg4[%add3A_38, %dma_wait3A_133] : memref<32768x256xf32, #tpu.memory_space<hbm>> -> memref<128x256xf32, #tpu.memory_space<hbm>>
      tpu.wait_dma2 semaphore(%run_scoped3A : memref<!tpu.dma_semaphore, #tpu.memory_space<semaphore_mem>>) src(%arg7 : memref<128x256xf32, #tpu.memory_space<vmem>>) dst(%dma_wait3A_134 : memref<128x256xf32, #tpu.memory_space<hbm>>)
      tpu.yield
    }) : () -> ()
    %scan3A_45 = arith.constant 0 : i32
    %scan3A_46 = arith.constant 0 : i32
    %scan3A_47 = arith.constant 8 : i32
    %scan3A_48 = arith.addi %scan3A_46, %scan3A_47 : i32
    %scan3A_49 = arith.constant 1 : i32
    %scan3A_50 = scf.for %scan3A_127 = %scan3A_46 to %scan3A_48 step %scan3A_49 iter_args(%scan3A_128 = %scan3A_45) -> (i32)  : i32 {
      %mul3A_129 = arith.constant 16 : i32
      %mul3A_130 = arith.muli %scan3A_127, %mul3A_129 : i32
      %get3A = arith.index_cast %mul3A_130 : i32 to index
      %get3A_131 = tpu.vector_load %arg6[%get3A] {strides = array<i32>} : memref<128xi32, #tpu.memory_space<vmem>>, vector<16xi32>,
      %broadcast_in_dim3A = arith.constant 1.000000e+00 : f32
      %broadcast_in_dim3A_132 = vector.broadcast %broadcast_in_dim3A : f32 to vector<16xf32>
      tpu.vector_store_idx %arg8[%get3A_131], %broadcast_in_dim3A_132 {add = true} : memref<8192xf32, #tpu.memory_space<vmem>>[vector<16xi32>], vector<16xf32>,
      %scan3A_133 = arith.constant 0 : i32
      scf.yield %scan3A_133 : i32
    }
    %scan3A_51 = arith.constant 8 : i32
    %add3A_52 = arith.constant 384 : i32
    %add3A_53 = arith.addi %mul3A_8, %add3A_52 : i32
    "tpu.region"() ({
      %run_scoped3A = tpu.sem_alloc : memref<!tpu.dma_semaphore, #tpu.memory_space<semaphore_mem>>
      %dma_start3A_127 = tpu.memref_slice %arg3[%add3A_53] : memref<32768xi32, #tpu.memory_space<hbm>> -> memref<128xi32, #tpu.memory_space<hbm>>
      %dma_start3A_128 = tpu.memref_slice %arg3[%add3A_53] : memref<32768xi32, #tpu.memory_space<hbm>> -> memref<128xi32, #tpu.memory_space<hbm>>
      tpu.enqueue_dma source(%dma_start3A_128 : memref<128xi32, #tpu.memory_space<hbm>>) target(%arg6 : memref<128xi32, #tpu.memory_space<vmem>>) target_semaphore(%run_scoped3A : memref<!tpu.dma_semaphore, #tpu.memory_space<semaphore_mem>>)
      %dma_wait3A_129 = tpu.memref_slice %arg3[%add3A_53] : memref<32768xi32, #tpu.memory_space<hbm>> -> memref<128xi32, #tpu.memory_space<hbm>>
      %dma_wait3A_130 = tpu.memref_slice %arg3[%add3A_53] : memref<32768xi32, #tpu.memory_space<hbm>> -> memref<128xi32, #tpu.memory_space<hbm>>
      tpu.wait_dma2 semaphore(%run_scoped3A : memref<!tpu.dma_semaphore, #tpu.memory_space<semaphore_mem>>) src(%dma_wait3A_130 : memref<128xi32, #tpu.memory_space<hbm>>) dst(%arg6 : memref<128xi32, #tpu.memory_space<vmem>>)
      tpu.yield
    }) : () -> ()
    %dma_start3A_54 = arith.constant 0 : i32
    %dma_start3A_55 = arith.constant 0 : i32
    %dma_start3A_56 = tpu.memref_slice %arg2[%dma_start3A_54, %dma_start3A_55] : memref<8192x256xf32, #tpu.memory_space<hbm>> -> memref<8192x256xf32, #tpu.memory_space<hbm>>
    tpu.enqueue_indirect_dma source(%dma_start3A_56 : memref<8192x256xf32, #tpu.memory_space<hbm>>) target(%arg7 : memref<128x256xf32, #tpu.memory_space<vmem>>) offsets(%arg6 : memref<128xi32, #tpu.memory_space<vmem>>) semaphore(%arg9 : memref<!tpu.dma_semaphore, #tpu.memory_space<semaphore_mem>>)
    %dma_wait3A_57 = arith.constant 0 : i32
    %dma_wait3A_58 = arith.constant 0 : i32
    %dma_wait3A_59 = tpu.memref_slice %arg2[%dma_wait3A_57, %dma_wait3A_58] : memref<8192x256xf32, #tpu.memory_space<hbm>> -> memref<8192x256xf32, #tpu.memory_space<hbm>>
    tpu.wait_indirect_dma semaphore(%arg9 : memref<!tpu.dma_semaphore, #tpu.memory_space<semaphore_mem>>) src(%dma_wait3A_59 : memref<8192x256xf32, #tpu.memory_space<hbm>>) dst(%arg7 : memref<128x256xf32, #tpu.memory_space<vmem>>)
    "tpu.region"() ({
      %run_scoped3A = tpu.sem_alloc : memref<!tpu.dma_semaphore, #tpu.memory_space<semaphore_mem>>
      %dma_start3A_127 = arith.constant 0 : i32
      %dma_start3A_128 = tpu.memref_slice %arg4[%add3A_53, %dma_start3A_127] : memref<32768x256xf32, #tpu.memory_space<hbm>> -> memref<128x256xf32, #tpu.memory_space<hbm>>
      %dma_start3A_129 = arith.constant 0 : i32
      %dma_start3A_130 = tpu.memref_slice %arg4[%add3A_53, %dma_start3A_129] : memref<32768x256xf32, #tpu.memory_space<hbm>> -> memref<128x256xf32, #tpu.memory_space<hbm>>
      tpu.enqueue_dma source(%arg7 : memref<128x256xf32, #tpu.memory_space<vmem>>) target(%dma_start3A_130 : memref<128x256xf32, #tpu.memory_space<hbm>>) target_semaphore(%run_scoped3A : memref<!tpu.dma_semaphore, #tpu.memory_space<semaphore_mem>>)
      %dma_wait3A_131 = arith.constant 0 : i32
      %dma_wait3A_132 = tpu.memref_slice %arg4[%add3A_53, %dma_wait3A_131] : memref<32768x256xf32, #tpu.memory_space<hbm>> -> memref<128x256xf32, #tpu.memory_space<hbm>>
      %dma_wait3A_133 = arith.constant 0 : i32
      %dma_wait3A_134 = tpu.memref_slice %arg4[%add3A_53, %dma_wait3A_133] : memref<32768x256xf32, #tpu.memory_space<hbm>> -> memref<128x256xf32, #tpu.memory_space<hbm>>
      tpu.wait_dma2 semaphore(%run_scoped3A : memref<!tpu.dma_semaphore, #tpu.memory_space<semaphore_mem>>) src(%arg7 : memref<128x256xf32, #tpu.memory_space<vmem>>) dst(%dma_wait3A_134 : memref<128x256xf32, #tpu.memory_space<hbm>>)
      tpu.yield
    }) : () -> ()
    %scan3A_60 = arith.constant 0 : i32
    %scan3A_61 = arith.constant 0 : i32
    %scan3A_62 = arith.constant 8 : i32
    %scan3A_63 = arith.addi %scan3A_61, %scan3A_62 : i32
    %scan3A_64 = arith.constant 1 : i32
    %scan3A_65 = scf.for %scan3A_127 = %scan3A_61 to %scan3A_63 step %scan3A_64 iter_args(%scan3A_128 = %scan3A_60) -> (i32)  : i32 {
      %mul3A_129 = arith.constant 16 : i32
      %mul3A_130 = arith.muli %scan3A_127, %mul3A_129 : i32
      %get3A = arith.index_cast %mul3A_130 : i32 to index
      %get3A_131 = tpu.vector_load %arg6[%get3A] {strides = array<i32>} : memref<128xi32, #tpu.memory_space<vmem>>, vector<16xi32>,
      %broadcast_in_dim3A = arith.constant 1.000000e+00 : f32
      %broadcast_in_dim3A_132 = vector.broadcast %broadcast_in_dim3A : f32 to vector<16xf32>
      tpu.vector_store_idx %arg8[%get3A_131], %broadcast_in_dim3A_132 {add = true} : memref<8192xf32, #tpu.memory_space<vmem>>[vector<16xi32>], vector<16xf32>,
      %scan3A_133 = arith.constant 0 : i32
      scf.yield %scan3A_133 : i32
    }
    %scan3A_66 = arith.constant 8 : i32
    %add3A_67 = arith.constant 512 : i32
    %add3A_68 = arith.addi %mul3A_8, %add3A_67 : i32
    "tpu.region"() ({
      %run_scoped3A = tpu.sem_alloc : memref<!tpu.dma_semaphore, #tpu.memory_space<semaphore_mem>>
      %dma_start3A_127 = tpu.memref_slice %arg3[%add3A_68] : memref<32768xi32, #tpu.memory_space<hbm>> -> memref<128xi32, #tpu.memory_space<hbm>>
      %dma_start3A_128 = tpu.memref_slice %arg3[%add3A_68] : memref<32768xi32, #tpu.memory_space<hbm>> -> memref<128xi32, #tpu.memory_space<hbm>>
      tpu.enqueue_dma source(%dma_start3A_128 : memref<128xi32, #tpu.memory_space<hbm>>) target(%arg6 : memref<128xi32, #tpu.memory_space<vmem>>) target_semaphore(%run_scoped3A : memref<!tpu.dma_semaphore, #tpu.memory_space<semaphore_mem>>)
      %dma_wait3A_129 = tpu.memref_slice %arg3[%add3A_68] : memref<32768xi32, #tpu.memory_space<hbm>> -> memref<128xi32, #tpu.memory_space<hbm>>
      %dma_wait3A_130 = tpu.memref_slice %arg3[%add3A_68] : memref<32768xi32, #tpu.memory_space<hbm>> -> memref<128xi32, #tpu.memory_space<hbm>>
      tpu.wait_dma2 semaphore(%run_scoped3A : memref<!tpu.dma_semaphore, #tpu.memory_space<semaphore_mem>>) src(%dma_wait3A_130 : memref<128xi32, #tpu.memory_space<hbm>>) dst(%arg6 : memref<128xi32, #tpu.memory_space<vmem>>)
      tpu.yield
    }) : () -> ()
    %dma_start3A_69 = arith.constant 0 : i32
    %dma_start3A_70 = arith.constant 0 : i32
    %dma_start3A_71 = tpu.memref_slice %arg2[%dma_start3A_69, %dma_start3A_70] : memref<8192x256xf32, #tpu.memory_space<hbm>> -> memref<8192x256xf32, #tpu.memory_space<hbm>>
    tpu.enqueue_indirect_dma source(%dma_start3A_71 : memref<8192x256xf32, #tpu.memory_space<hbm>>) target(%arg7 : memref<128x256xf32, #tpu.memory_space<vmem>>) offsets(%arg6 : memref<128xi32, #tpu.memory_space<vmem>>) semaphore(%arg9 : memref<!tpu.dma_semaphore, #tpu.memory_space<semaphore_mem>>)
    %dma_wait3A_72 = arith.constant 0 : i32
    %dma_wait3A_73 = arith.constant 0 : i32
    %dma_wait3A_74 = tpu.memref_slice %arg2[%dma_wait3A_72, %dma_wait3A_73] : memref<8192x256xf32, #tpu.memory_space<hbm>> -> memref<8192x256xf32, #tpu.memory_space<hbm>>
    tpu.wait_indirect_dma semaphore(%arg9 : memref<!tpu.dma_semaphore, #tpu.memory_space<semaphore_mem>>) src(%dma_wait3A_74 : memref<8192x256xf32, #tpu.memory_space<hbm>>) dst(%arg7 : memref<128x256xf32, #tpu.memory_space<vmem>>)
    "tpu.region"() ({
      %run_scoped3A = tpu.sem_alloc : memref<!tpu.dma_semaphore, #tpu.memory_space<semaphore_mem>>
      %dma_start3A_127 = arith.constant 0 : i32
      %dma_start3A_128 = tpu.memref_slice %arg4[%add3A_68, %dma_start3A_127] : memref<32768x256xf32, #tpu.memory_space<hbm>> -> memref<128x256xf32, #tpu.memory_space<hbm>>
      %dma_start3A_129 = arith.constant 0 : i32
      %dma_start3A_130 = tpu.memref_slice %arg4[%add3A_68, %dma_start3A_129] : memref<32768x256xf32, #tpu.memory_space<hbm>> -> memref<128x256xf32, #tpu.memory_space<hbm>>
      tpu.enqueue_dma source(%arg7 : memref<128x256xf32, #tpu.memory_space<vmem>>) target(%dma_start3A_130 : memref<128x256xf32, #tpu.memory_space<hbm>>) target_semaphore(%run_scoped3A : memref<!tpu.dma_semaphore, #tpu.memory_space<semaphore_mem>>)
      %dma_wait3A_131 = arith.constant 0 : i32
      %dma_wait3A_132 = tpu.memref_slice %arg4[%add3A_68, %dma_wait3A_131] : memref<32768x256xf32, #tpu.memory_space<hbm>> -> memref<128x256xf32, #tpu.memory_space<hbm>>
      %dma_wait3A_133 = arith.constant 0 : i32
      %dma_wait3A_134 = tpu.memref_slice %arg4[%add3A_68, %dma_wait3A_133] : memref<32768x256xf32, #tpu.memory_space<hbm>> -> memref<128x256xf32, #tpu.memory_space<hbm>>
      tpu.wait_dma2 semaphore(%run_scoped3A : memref<!tpu.dma_semaphore, #tpu.memory_space<semaphore_mem>>) src(%arg7 : memref<128x256xf32, #tpu.memory_space<vmem>>) dst(%dma_wait3A_134 : memref<128x256xf32, #tpu.memory_space<hbm>>)
      tpu.yield
    }) : () -> ()
    %scan3A_75 = arith.constant 0 : i32
    %scan3A_76 = arith.constant 0 : i32
    %scan3A_77 = arith.constant 8 : i32
    %scan3A_78 = arith.addi %scan3A_76, %scan3A_77 : i32
    %scan3A_79 = arith.constant 1 : i32
    %scan3A_80 = scf.for %scan3A_127 = %scan3A_76 to %scan3A_78 step %scan3A_79 iter_args(%scan3A_128 = %scan3A_75) -> (i32)  : i32 {
      %mul3A_129 = arith.constant 16 : i32
      %mul3A_130 = arith.muli %scan3A_127, %mul3A_129 : i32
      %get3A = arith.index_cast %mul3A_130 : i32 to index
      %get3A_131 = tpu.vector_load %arg6[%get3A] {strides = array<i32>} : memref<128xi32, #tpu.memory_space<vmem>>, vector<16xi32>,
      %broadcast_in_dim3A = arith.constant 1.000000e+00 : f32
      %broadcast_in_dim3A_132 = vector.broadcast %broadcast_in_dim3A : f32 to vector<16xf32>
      tpu.vector_store_idx %arg8[%get3A_131], %broadcast_in_dim3A_132 {add = true} : memref<8192xf32, #tpu.memory_space<vmem>>[vector<16xi32>], vector<16xf32>,
      %scan3A_133 = arith.constant 0 : i32
      scf.yield %scan3A_133 : i32
    }
    %scan3A_81 = arith.constant 8 : i32
    %add3A_82 = arith.constant 640 : i32
    %add3A_83 = arith.addi %mul3A_8, %add3A_82 : i32
    "tpu.region"() ({
      %run_scoped3A = tpu.sem_alloc : memref<!tpu.dma_semaphore, #tpu.memory_space<semaphore_mem>>
      %dma_start3A_127 = tpu.memref_slice %arg3[%add3A_83] : memref<32768xi32, #tpu.memory_space<hbm>> -> memref<128xi32, #tpu.memory_space<hbm>>
      %dma_start3A_128 = tpu.memref_slice %arg3[%add3A_83] : memref<32768xi32, #tpu.memory_space<hbm>> -> memref<128xi32, #tpu.memory_space<hbm>>
      tpu.enqueue_dma source(%dma_start3A_128 : memref<128xi32, #tpu.memory_space<hbm>>) target(%arg6 : memref<128xi32, #tpu.memory_space<vmem>>) target_semaphore(%run_scoped3A : memref<!tpu.dma_semaphore, #tpu.memory_space<semaphore_mem>>)
      %dma_wait3A_129 = tpu.memref_slice %arg3[%add3A_83] : memref<32768xi32, #tpu.memory_space<hbm>> -> memref<128xi32, #tpu.memory_space<hbm>>
      %dma_wait3A_130 = tpu.memref_slice %arg3[%add3A_83] : memref<32768xi32, #tpu.memory_space<hbm>> -> memref<128xi32, #tpu.memory_space<hbm>>
      tpu.wait_dma2 semaphore(%run_scoped3A : memref<!tpu.dma_semaphore, #tpu.memory_space<semaphore_mem>>) src(%dma_wait3A_130 : memref<128xi32, #tpu.memory_space<hbm>>) dst(%arg6 : memref<128xi32, #tpu.memory_space<vmem>>)
      tpu.yield
    }) : () -> ()
    %dma_start3A_84 = arith.constant 0 : i32
    %dma_start3A_85 = arith.constant 0 : i32
    %dma_start3A_86 = tpu.memref_slice %arg2[%dma_start3A_84, %dma_start3A_85] : memref<8192x256xf32, #tpu.memory_space<hbm>> -> memref<8192x256xf32, #tpu.memory_space<hbm>>
    tpu.enqueue_indirect_dma source(%dma_start3A_86 : memref<8192x256xf32, #tpu.memory_space<hbm>>) target(%arg7 : memref<128x256xf32, #tpu.memory_space<vmem>>) offsets(%arg6 : memref<128xi32, #tpu.memory_space<vmem>>) semaphore(%arg9 : memref<!tpu.dma_semaphore, #tpu.memory_space<semaphore_mem>>)
    %dma_wait3A_87 = arith.constant 0 : i32
    %dma_wait3A_88 = arith.constant 0 : i32
    %dma_wait3A_89 = tpu.memref_slice %arg2[%dma_wait3A_87, %dma_wait3A_88] : memref<8192x256xf32, #tpu.memory_space<hbm>> -> memref<8192x256xf32, #tpu.memory_space<hbm>>
    tpu.wait_indirect_dma semaphore(%arg9 : memref<!tpu.dma_semaphore, #tpu.memory_space<semaphore_mem>>) src(%dma_wait3A_89 : memref<8192x256xf32, #tpu.memory_space<hbm>>) dst(%arg7 : memref<128x256xf32, #tpu.memory_space<vmem>>)
    "tpu.region"() ({
      %run_scoped3A = tpu.sem_alloc : memref<!tpu.dma_semaphore, #tpu.memory_space<semaphore_mem>>
      %dma_start3A_127 = arith.constant 0 : i32
      %dma_start3A_128 = tpu.memref_slice %arg4[%add3A_83, %dma_start3A_127] : memref<32768x256xf32, #tpu.memory_space<hbm>> -> memref<128x256xf32, #tpu.memory_space<hbm>>
      %dma_start3A_129 = arith.constant 0 : i32
      %dma_start3A_130 = tpu.memref_slice %arg4[%add3A_83, %dma_start3A_129] : memref<32768x256xf32, #tpu.memory_space<hbm>> -> memref<128x256xf32, #tpu.memory_space<hbm>>
      tpu.enqueue_dma source(%arg7 : memref<128x256xf32, #tpu.memory_space<vmem>>) target(%dma_start3A_130 : memref<128x256xf32, #tpu.memory_space<hbm>>) target_semaphore(%run_scoped3A : memref<!tpu.dma_semaphore, #tpu.memory_space<semaphore_mem>>)
      %dma_wait3A_131 = arith.constant 0 : i32
      %dma_wait3A_132 = tpu.memref_slice %arg4[%add3A_83, %dma_wait3A_131] : memref<32768x256xf32, #tpu.memory_space<hbm>> -> memref<128x256xf32, #tpu.memory_space<hbm>>
      %dma_wait3A_133 = arith.constant 0 : i32
      %dma_wait3A_134 = tpu.memref_slice %arg4[%add3A_83, %dma_wait3A_133] : memref<32768x256xf32, #tpu.memory_space<hbm>> -> memref<128x256xf32, #tpu.memory_space<hbm>>
      tpu.wait_dma2 semaphore(%run_scoped3A : memref<!tpu.dma_semaphore, #tpu.memory_space<semaphore_mem>>) src(%arg7 : memref<128x256xf32, #tpu.memory_space<vmem>>) dst(%dma_wait3A_134 : memref<128x256xf32, #tpu.memory_space<hbm>>)
      tpu.yield
    }) : () -> ()
    %scan3A_90 = arith.constant 0 : i32
    %scan3A_91 = arith.constant 0 : i32
    %scan3A_92 = arith.constant 8 : i32
    %scan3A_93 = arith.addi %scan3A_91, %scan3A_92 : i32
    %scan3A_94 = arith.constant 1 : i32
    %scan3A_95 = scf.for %scan3A_127 = %scan3A_91 to %scan3A_93 step %scan3A_94 iter_args(%scan3A_128 = %scan3A_90) -> (i32)  : i32 {
      %mul3A_129 = arith.constant 16 : i32
      %mul3A_130 = arith.muli %scan3A_127, %mul3A_129 : i32
      %get3A = arith.index_cast %mul3A_130 : i32 to index
      %get3A_131 = tpu.vector_load %arg6[%get3A] {strides = array<i32>} : memref<128xi32, #tpu.memory_space<vmem>>, vector<16xi32>,
      %broadcast_in_dim3A = arith.constant 1.000000e+00 : f32
      %broadcast_in_dim3A_132 = vector.broadcast %broadcast_in_dim3A : f32 to vector<16xf32>
      tpu.vector_store_idx %arg8[%get3A_131], %broadcast_in_dim3A_132 {add = true} : memref<8192xf32, #tpu.memory_space<vmem>>[vector<16xi32>], vector<16xf32>,
      %scan3A_133 = arith.constant 0 : i32
      scf.yield %scan3A_133 : i32
    }
    %scan3A_96 = arith.constant 8 : i32
    %add3A_97 = arith.constant 768 : i32
    %add3A_98 = arith.addi %mul3A_8, %add3A_97 : i32
    "tpu.region"() ({
      %run_scoped3A = tpu.sem_alloc : memref<!tpu.dma_semaphore, #tpu.memory_space<semaphore_mem>>
      %dma_start3A_127 = tpu.memref_slice %arg3[%add3A_98] : memref<32768xi32, #tpu.memory_space<hbm>> -> memref<128xi32, #tpu.memory_space<hbm>>
      %dma_start3A_128 = tpu.memref_slice %arg3[%add3A_98] : memref<32768xi32, #tpu.memory_space<hbm>> -> memref<128xi32, #tpu.memory_space<hbm>>
      tpu.enqueue_dma source(%dma_start3A_128 : memref<128xi32, #tpu.memory_space<hbm>>) target(%arg6 : memref<128xi32, #tpu.memory_space<vmem>>) target_semaphore(%run_scoped3A : memref<!tpu.dma_semaphore, #tpu.memory_space<semaphore_mem>>)
      %dma_wait3A_129 = tpu.memref_slice %arg3[%add3A_98] : memref<32768xi32, #tpu.memory_space<hbm>> -> memref<128xi32, #tpu.memory_space<hbm>>
      %dma_wait3A_130 = tpu.memref_slice %arg3[%add3A_98] : memref<32768xi32, #tpu.memory_space<hbm>> -> memref<128xi32, #tpu.memory_space<hbm>>
      tpu.wait_dma2 semaphore(%run_scoped3A : memref<!tpu.dma_semaphore, #tpu.memory_space<semaphore_mem>>) src(%dma_wait3A_130 : memref<128xi32, #tpu.memory_space<hbm>>) dst(%arg6 : memref<128xi32, #tpu.memory_space<vmem>>)
      tpu.yield
    }) : () -> ()
    %dma_start3A_99 = arith.constant 0 : i32
    %dma_start3A_100 = arith.constant 0 : i32
    %dma_start3A_101 = tpu.memref_slice %arg2[%dma_start3A_99, %dma_start3A_100] : memref<8192x256xf32, #tpu.memory_space<hbm>> -> memref<8192x256xf32, #tpu.memory_space<hbm>>
    tpu.enqueue_indirect_dma source(%dma_start3A_101 : memref<8192x256xf32, #tpu.memory_space<hbm>>) target(%arg7 : memref<128x256xf32, #tpu.memory_space<vmem>>) offsets(%arg6 : memref<128xi32, #tpu.memory_space<vmem>>) semaphore(%arg9 : memref<!tpu.dma_semaphore, #tpu.memory_space<semaphore_mem>>)
    %dma_wait3A_102 = arith.constant 0 : i32
    %dma_wait3A_103 = arith.constant 0 : i32
    %dma_wait3A_104 = tpu.memref_slice %arg2[%dma_wait3A_102, %dma_wait3A_103] : memref<8192x256xf32, #tpu.memory_space<hbm>> -> memref<8192x256xf32, #tpu.memory_space<hbm>>
    tpu.wait_indirect_dma semaphore(%arg9 : memref<!tpu.dma_semaphore, #tpu.memory_space<semaphore_mem>>) src(%dma_wait3A_104 : memref<8192x256xf32, #tpu.memory_space<hbm>>) dst(%arg7 : memref<128x256xf32, #tpu.memory_space<vmem>>)
    "tpu.region"() ({
      %run_scoped3A = tpu.sem_alloc : memref<!tpu.dma_semaphore, #tpu.memory_space<semaphore_mem>>
      %dma_start3A_127 = arith.constant 0 : i32
      %dma_start3A_128 = tpu.memref_slice %arg4[%add3A_98, %dma_start3A_127] : memref<32768x256xf32, #tpu.memory_space<hbm>> -> memref<128x256xf32, #tpu.memory_space<hbm>>
      %dma_start3A_129 = arith.constant 0 : i32
      %dma_start3A_130 = tpu.memref_slice %arg4[%add3A_98, %dma_start3A_129] : memref<32768x256xf32, #tpu.memory_space<hbm>> -> memref<128x256xf32, #tpu.memory_space<hbm>>
      tpu.enqueue_dma source(%arg7 : memref<128x256xf32, #tpu.memory_space<vmem>>) target(%dma_start3A_130 : memref<128x256xf32, #tpu.memory_space<hbm>>) target_semaphore(%run_scoped3A : memref<!tpu.dma_semaphore, #tpu.memory_space<semaphore_mem>>)
      %dma_wait3A_131 = arith.constant 0 : i32
      %dma_wait3A_132 = tpu.memref_slice %arg4[%add3A_98, %dma_wait3A_131] : memref<32768x256xf32, #tpu.memory_space<hbm>> -> memref<128x256xf32, #tpu.memory_space<hbm>>
      %dma_wait3A_133 = arith.constant 0 : i32
      %dma_wait3A_134 = tpu.memref_slice %arg4[%add3A_98, %dma_wait3A_133] : memref<32768x256xf32, #tpu.memory_space<hbm>> -> memref<128x256xf32, #tpu.memory_space<hbm>>
      tpu.wait_dma2 semaphore(%run_scoped3A : memref<!tpu.dma_semaphore, #tpu.memory_space<semaphore_mem>>) src(%arg7 : memref<128x256xf32, #tpu.memory_space<vmem>>) dst(%dma_wait3A_134 : memref<128x256xf32, #tpu.memory_space<hbm>>)
      tpu.yield
    }) : () -> ()
    %scan3A_105 = arith.constant 0 : i32
    %scan3A_106 = arith.constant 0 : i32
    %scan3A_107 = arith.constant 8 : i32
    %scan3A_108 = arith.addi %scan3A_106, %scan3A_107 : i32
    %scan3A_109 = arith.constant 1 : i32
    %scan3A_110 = scf.for %scan3A_127 = %scan3A_106 to %scan3A_108 step %scan3A_109 iter_args(%scan3A_128 = %scan3A_105) -> (i32)  : i32 {
      %mul3A_129 = arith.constant 16 : i32
      %mul3A_130 = arith.muli %scan3A_127, %mul3A_129 : i32
      %get3A = arith.index_cast %mul3A_130 : i32 to index
      %get3A_131 = tpu.vector_load %arg6[%get3A] {strides = array<i32>} : memref<128xi32, #tpu.memory_space<vmem>>, vector<16xi32>,
      %broadcast_in_dim3A = arith.constant 1.000000e+00 : f32
      %broadcast_in_dim3A_132 = vector.broadcast %broadcast_in_dim3A : f32 to vector<16xf32>
      tpu.vector_store_idx %arg8[%get3A_131], %broadcast_in_dim3A_132 {add = true} : memref<8192xf32, #tpu.memory_space<vmem>>[vector<16xi32>], vector<16xf32>,
      %scan3A_133 = arith.constant 0 : i32
      scf.yield %scan3A_133 : i32
    }
    %scan3A_111 = arith.constant 8 : i32
    %add3A_112 = arith.constant 896 : i32
    %add3A_113 = arith.addi %mul3A_8, %add3A_112 : i32
    "tpu.region"() ({
      %run_scoped3A = tpu.sem_alloc : memref<!tpu.dma_semaphore, #tpu.memory_space<semaphore_mem>>
      %dma_start3A_127 = tpu.memref_slice %arg3[%add3A_113] : memref<32768xi32, #tpu.memory_space<hbm>> -> memref<128xi32, #tpu.memory_space<hbm>>
      %dma_start3A_128 = tpu.memref_slice %arg3[%add3A_113] : memref<32768xi32, #tpu.memory_space<hbm>> -> memref<128xi32, #tpu.memory_space<hbm>>
      tpu.enqueue_dma source(%dma_start3A_128 : memref<128xi32, #tpu.memory_space<hbm>>) target(%arg6 : memref<128xi32, #tpu.memory_space<vmem>>) target_semaphore(%run_scoped3A : memref<!tpu.dma_semaphore, #tpu.memory_space<semaphore_mem>>)
      %dma_wait3A_129 = tpu.memref_slice %arg3[%add3A_113] : memref<32768xi32, #tpu.memory_space<hbm>> -> memref<128xi32, #tpu.memory_space<hbm>>
      %dma_wait3A_130 = tpu.memref_slice %arg3[%add3A_113] : memref<32768xi32, #tpu.memory_space<hbm>> -> memref<128xi32, #tpu.memory_space<hbm>>
      tpu.wait_dma2 semaphore(%run_scoped3A : memref<!tpu.dma_semaphore, #tpu.memory_space<semaphore_mem>>) src(%dma_wait3A_130 : memref<128xi32, #tpu.memory_space<hbm>>) dst(%arg6 : memref<128xi32, #tpu.memory_space<vmem>>)
      tpu.yield
    }) : () -> ()
    %dma_start3A_114 = arith.constant 0 : i32
    %dma_start3A_115 = arith.constant 0 : i32
    %dma_start3A_116 = tpu.memref_slice %arg2[%dma_start3A_114, %dma_start3A_115] : memref<8192x256xf32, #tpu.memory_space<hbm>> -> memref<8192x256xf32, #tpu.memory_space<hbm>>
    tpu.enqueue_indirect_dma source(%dma_start3A_116 : memref<8192x256xf32, #tpu.memory_space<hbm>>) target(%arg7 : memref<128x256xf32, #tpu.memory_space<vmem>>) offsets(%arg6 : memref<128xi32, #tpu.memory_space<vmem>>) semaphore(%arg9 : memref<!tpu.dma_semaphore, #tpu.memory_space<semaphore_mem>>)
    %dma_wait3A_117 = arith.constant 0 : i32
    %dma_wait3A_118 = arith.constant 0 : i32
    %dma_wait3A_119 = tpu.memref_slice %arg2[%dma_wait3A_117, %dma_wait3A_118] : memref<8192x256xf32, #tpu.memory_space<hbm>> -> memref<8192x256xf32, #tpu.memory_space<hbm>>
    tpu.wait_indirect_dma semaphore(%arg9 : memref<!tpu.dma_semaphore, #tpu.memory_space<semaphore_mem>>) src(%dma_wait3A_119 : memref<8192x256xf32, #tpu.memory_space<hbm>>) dst(%arg7 : memref<128x256xf32, #tpu.memory_space<vmem>>)
    "tpu.region"() ({
      %run_scoped3A = tpu.sem_alloc : memref<!tpu.dma_semaphore, #tpu.memory_space<semaphore_mem>>
      %dma_start3A_127 = arith.constant 0 : i32
      %dma_start3A_128 = tpu.memref_slice %arg4[%add3A_113, %dma_start3A_127] : memref<32768x256xf32, #tpu.memory_space<hbm>> -> memref<128x256xf32, #tpu.memory_space<hbm>>
      %dma_start3A_129 = arith.constant 0 : i32
      %dma_start3A_130 = tpu.memref_slice %arg4[%add3A_113, %dma_start3A_129] : memref<32768x256xf32, #tpu.memory_space<hbm>> -> memref<128x256xf32, #tpu.memory_space<hbm>>
      tpu.enqueue_dma source(%arg7 : memref<128x256xf32, #tpu.memory_space<vmem>>) target(%dma_start3A_130 : memref<128x256xf32, #tpu.memory_space<hbm>>) target_semaphore(%run_scoped3A : memref<!tpu.dma_semaphore, #tpu.memory_space<semaphore_mem>>)
      %dma_wait3A_131 = arith.constant 0 : i32
      %dma_wait3A_132 = tpu.memref_slice %arg4[%add3A_113, %dma_wait3A_131] : memref<32768x256xf32, #tpu.memory_space<hbm>> -> memref<128x256xf32, #tpu.memory_space<hbm>>
      %dma_wait3A_133 = arith.constant 0 : i32
      %dma_wait3A_134 = tpu.memref_slice %arg4[%add3A_113, %dma_wait3A_133] : memref<32768x256xf32, #tpu.memory_space<hbm>> -> memref<128x256xf32, #tpu.memory_space<hbm>>
      tpu.wait_dma2 semaphore(%run_scoped3A : memref<!tpu.dma_semaphore, #tpu.memory_space<semaphore_mem>>) src(%arg7 : memref<128x256xf32, #tpu.memory_space<vmem>>) dst(%dma_wait3A_134 : memref<128x256xf32, #tpu.memory_space<hbm>>)
      tpu.yield
    }) : () -> ()
    %scan3A_120 = arith.constant 0 : i32
    %scan3A_121 = arith.constant 0 : i32
    %scan3A_122 = arith.constant 8 : i32
    %scan3A_123 = arith.addi %scan3A_121, %scan3A_122 : i32
    %scan3A_124 = arith.constant 1 : i32
    %scan3A_125 = scf.for %scan3A_127 = %scan3A_121 to %scan3A_123 step %scan3A_124 iter_args(%scan3A_128 = %scan3A_120) -> (i32)  : i32 {
      %mul3A_129 = arith.constant 16 : i32
      %mul3A_130 = arith.muli %scan3A_127, %mul3A_129 : i32
      %get3A = arith.index_cast %mul3A_130 : i32 to index
      %get3A_131 = tpu.vector_load %arg6[%get3A] {strides = array<i32>} : memref<128xi32, #tpu.memory_space<vmem>>, vector<16xi32>,
      %broadcast_in_dim3A = arith.constant 1.000000e+00 : f32
      %broadcast_in_dim3A_132 = vector.broadcast %broadcast_in_dim3A : f32 to vector<16xf32>
      tpu.vector_store_idx %arg8[%get3A_131], %broadcast_in_dim3A_132 {add = true} : memref<8192xf32, #tpu.memory_space<vmem>>[vector<16xi32>], vector<16xf32>,
      %scan3A_133 = arith.constant 0 : i32
      scf.yield %scan3A_133 : i32
    }
    %scan3A_126 = arith.constant 8 : i32
    "tpu.region"() ({
      %run_scoped3A = tpu.sem_alloc : memref<!tpu.dma_semaphore, #tpu.memory_space<semaphore_mem>>
      %dma_start3A_127 = arith.constant 0 : i32
      %dma_start3A_128 = tpu.memref_slice %arg5[%add3A, %dma_start3A_127] : memref<32x8192xf32, #tpu.memory_space<hbm>> -> memref<1x8192xf32, #tpu.memory_space<hbm>>
      %dma_start3A_129 = tpu.memref_squeeze %dma_start3A_128 : memref<1x8192xf32, #tpu.memory_space<hbm>> -> memref<8192xf32, #tpu.memory_space<hbm>>
      %dma_start3A_130 = arith.constant 0 : i32
      %dma_start3A_131 = tpu.memref_slice %arg5[%add3A, %dma_start3A_130] : memref<32x8192xf32, #tpu.memory_space<hbm>> -> memref<1x8192xf32, #tpu.memory_space<hbm>>
      %dma_start3A_132 = tpu.memref_squeeze %dma_start3A_131 : memref<1x8192xf32, #tpu.memory_space<hbm>> -> memref<8192xf32, #tpu.memory_space<hbm>>
      tpu.enqueue_dma source(%arg8 : memref<8192xf32, #tpu.memory_space<vmem>>) target(%dma_start3A_132 : memref<8192xf32, #tpu.memory_space<hbm>>) target_semaphore(%run_scoped3A : memref<!tpu.dma_semaphore, #tpu.memory_space<semaphore_mem>>)
      %dma_wait3A_133 = arith.constant 0 : i32
      %dma_wait3A_134 = tpu.memref_slice %arg5[%add3A, %dma_wait3A_133] : memref<32x8192xf32, #tpu.memory_space<hbm>> -> memref<1x8192xf32, #tpu.memory_space<hbm>>
      %dma_wait3A_135 = tpu.memref_squeeze %dma_wait3A_134 : memref<1x8192xf32, #tpu.memory_space<hbm>> -> memref<8192xf32, #tpu.memory_space<hbm>>
      %dma_wait3A_136 = arith.constant 0 : i32
      %dma_wait3A_137 = tpu.memref_slice %arg5[%add3A, %dma_wait3A_136] : memref<32x8192xf32, #tpu.memory_space<hbm>> -> memref<1x8192xf32, #tpu.memory_space<hbm>>
      %dma_wait3A_138 = tpu.memref_squeeze %dma_wait3A_137 : memref<1x8192xf32, #tpu.memory_space<hbm>> -> memref<8192xf32, #tpu.memory_space<hbm>>
      tpu.wait_dma2 semaphore(%run_scoped3A : memref<!tpu.dma_semaphore, #tpu.memory_space<semaphore_mem>>) src(%arg8 : memref<8192xf32, #tpu.memory_space<vmem>>) dst(%dma_wait3A_138 : memref<8192xf32, #tpu.memory_space<hbm>>)
      tpu.yield
    }) : () -> ()
    return
  }
}

module attributes {stable_mosaic.version = 14 : i64} {
  func.func @_finalize_body(%arg0: memref<32x8192xf32, #tpu.memory_space<vmem>>, %arg1: memref<1x1xf32, #tpu.memory_space<smem>>, %arg2: memref<1x1xf32, #tpu.memory_space<smem>>, %arg3: memref<1x1xf32, #tpu.memory_space<smem>>) attributes {dimension_semantics = [], scalar_prefetch = 0 : i64, scratch_operands = 0 : i64, tpu.core_type = #tpu.core_type<tc>} {
    %get3A = arith.constant 0 : index
    %get3A_0 = arith.constant 0 : index
    %get3A_1 = vector.load %arg0[%get3A, %get3A_0] : memref<32x8192xf32, #tpu.memory_space<vmem>>, vector<32x8192xf32>
    %reduce_sum3A = arith.constant dense<0.000000e+00> : vector<8192xf32>
    %reduce_sum3A_2 = vector.multi_reduction <add>, %get3A_1, %reduce_sum3A [0] : vector<32x8192xf32> to vector<8192xf32>
    %mul3A = arith.constant 3.05175781E-5 : f32
    %mul3A_3 = vector.broadcast %mul3A : f32 to vector<8192xf32>
    %mul3A_4 = arith.mulf %reduce_sum3A_2, %mul3A_3 : vector<8192xf32>
    %add3A = arith.constant 1.000000e-10 : f32
    %add3A_5 = vector.broadcast %add3A : f32 to vector<8192xf32>
    %add3A_6 = arith.addf %mul3A_4, %add3A_5 : vector<8192xf32>
    %log3A = math.log %add3A_6 : vector<8192xf32>
    %mul3A_7 = arith.mulf %mul3A_4, %log3A : vector<8192xf32>
    %reduce_sum3A_8 = vector.shape_cast %mul3A_7 : vector<8192xf32> to vector<1x8192xf32>
    %reduce_sum3A_9 = arith.constant dense<0.000000e+00> : vector<1xf32>
    %reduce_sum3A_10 = vector.multi_reduction <add>, %reduce_sum3A_8, %reduce_sum3A_9 [1] : vector<1x8192xf32> to vector<1xf32>
    %reduce_sum3A_11 = vector.shape_cast %reduce_sum3A_10 : vector<1xf32> to vector<1x1xf32>
    %reduce_sum3A_12 = vector.extract %reduce_sum3A_11[0, 0] : f32 from vector<1x1xf32>
    %neg3A = arith.constant 0.000000e+00 : f32
    %neg3A_13 = arith.subf %neg3A, %reduce_sum3A_12 : f32
    %exp3A = math.exp %neg3A_13 : f32
    %swap3A = arith.constant 0 : index
    %swap3A_14 = arith.constant 0 : index
    %swap3A_15 = memref.load %arg3[%swap3A, %swap3A_14] : memref<1x1xf32, #tpu.memory_space<smem>>
    memref.store %exp3A, %arg3[%swap3A, %swap3A_14] : memref<1x1xf32, #tpu.memory_space<smem>>
    %get3A_16 = arith.constant 0 : index
    %get3A_17 = arith.constant 0 : index
    %get3A_18 = memref.load %arg1[%get3A_16, %get3A_17] : memref<1x1xf32, #tpu.memory_space<smem>>
    %mul3A_19 = arith.constant 2.500000e-01 : f32
    %mul3A_20 = arith.mulf %mul3A_19, %get3A_18 : f32
    %div3A = arith.constant 0x4B000000 : f32
    %div3A_21 = arith.divf %mul3A_20, %div3A : f32
    %swap3A_22 = arith.constant 0 : index
    %swap3A_23 = arith.constant 0 : index
    %swap3A_24 = memref.load %arg2[%swap3A_22, %swap3A_23] : memref<1x1xf32, #tpu.memory_space<smem>>
    memref.store %div3A_21, %arg2[%swap3A_22, %swap3A_23] : memref<1x1xf32, #tpu.memory_space<smem>>
    return
  }
}

module attributes {stable_mosaic.version = 14 : i64} {
  func.func @_dist_argmin_body(%arg0: i32, %arg1: memref<512x256xf32, #tpu.memory_space<vmem>>, %arg2: memref<8192x256xbf16, #tpu.memory_space<vmem>>, %arg3: memref<8192xf32, #tpu.memory_space<vmem>>, %arg4: memref<512xi32, #tpu.memory_space<vmem>>, %arg5: memref<1x1xf32, #tpu.memory_space<smem>>) attributes {dimension_semantics = [#tpu.dimension_semantics<arbitrary>], iteration_bounds = array<i64: 64>, scalar_prefetch = 0 : i64, scratch_operands = 0 : i64, tpu.core_type = #tpu.core_type<tc>, window_params = [{transform_indices = @transform_0, window_bounds = array<i64: 512, 256>}, {pipeline_mode = #tpu.pipeline_mode<synchronous>, transform_indices = @transform_1, window_bounds = array<i64: 8192, 256>}, {pipeline_mode = #tpu.pipeline_mode<synchronous>, transform_indices = @transform_2, window_bounds = array<i64: 8192>}, {transform_indices = @transform_3, window_bounds = array<i64: 512>}, {transform_indices = @transform_4, window_bounds = array<i64: 1, 1>}]} {
    %get3A = arith.constant 0 : index
    %get3A_0 = arith.constant 0 : index
    %get3A_1 = vector.load %arg1[%get3A, %get3A_0] : memref<512x256xf32, #tpu.memory_space<vmem>>, vector<512x256xf32>
    %convert_element_type3A = arith.truncf %get3A_1 : vector<512x256xf32> to vector<512x256xbf16>
    %get3A_2 = arith.constant 0 : index
    %get3A_3 = arith.constant 0 : index
    %get3A_4 = vector.load %arg2[%get3A_2, %get3A_3] : memref<8192x256xbf16, #tpu.memory_space<vmem>>, vector<8192x256xbf16>
    %dot_general3A = arith.constant dense<0.000000e+00> : vector<512x8192xf32>
    %dot_general3A_5 = tpu.matmul %convert_element_type3A, %get3A_4, %dot_general3A {dimension_numbers = #tpu.dot_dimension_numbers<[1], [1], [0], [0], [0, 0, 1, 0], [], []>, transpose_lhs_hint = false} : vector<512x256xbf16>, vector<8192x256xbf16>, vector<512x8192xf32> -> vector<512x8192xf32>
    %mul3A = arith.mulf %get3A_1, %get3A_1 : vector<512x256xf32>
    %reduce_sum3A = arith.constant dense<0.000000e+00> : vector<512xf32>
    %reduce_sum3A_6 = vector.multi_reduction <add>, %mul3A, %reduce_sum3A [1] : vector<512x256xf32> to vector<512xf32>
    %broadcast_in_dim3A = vector.shape_cast %reduce_sum3A_6 : vector<512xf32> to vector<512x1xf32>
    %get3A_7 = arith.constant 0 : index
    %get3A_8 = vector.load %arg3[%get3A_7] : memref<8192xf32, #tpu.memory_space<vmem>>, vector<8192xf32>
    %broadcast_in_dim3A_9 = vector.shape_cast %get3A_8 : vector<8192xf32> to vector<1x8192xf32>
    %add3A = vector.broadcast %broadcast_in_dim3A : vector<512x1xf32> to vector<512x8192xf32>
    %add3A_10 = vector.broadcast %broadcast_in_dim3A_9 : vector<1x8192xf32> to vector<512x8192xf32>
    %add3A_11 = arith.addf %add3A, %add3A_10 : vector<512x8192xf32>
    %mul3A_12 = arith.constant 2.000000e+00 : f32
    %mul3A_13 = vector.broadcast %mul3A_12 : f32 to vector<512x8192xf32>
    %mul3A_14 = arith.mulf %mul3A_13, %dot_general3A_5 : vector<512x8192xf32>
    %sub3A = arith.subf %add3A_11, %mul3A_14 : vector<512x8192xf32>
    %slice3A = vector.extract_strided_slice %sub3A {offsets = [0, 0], sizes = [512, 2736], strides = [1, 1]} : vector<512x8192xf32> to vector<512x2736xf32>
    %reduce_min3A = arith.constant dense<0x7F800000> : vector<512xf32>
    %reduce_min3A_15 = vector.multi_reduction <minimumf>, %slice3A, %reduce_min3A [1] : vector<512x2736xf32> to vector<512xf32>
    %iota3A = tpu.iota {dimensions = array<i32: 1>} : vector<512x2736xi32>
    %add3A_16 = arith.constant 0 : i32
    %add3A_17 = vector.broadcast %add3A_16 : i32 to vector<512x2736xi32>
    %add3A_18 = arith.addi %iota3A, %add3A_17 : vector<512x2736xi32>
    %broadcast_in_dim3A_19 = vector.shape_cast %reduce_min3A_15 : vector<512xf32> to vector<512x1xf32>
    %eq3A = vector.broadcast %broadcast_in_dim3A_19 : vector<512x1xf32> to vector<512x2736xf32>
    %eq3A_20 = arith.cmpf oeq, %slice3A, %eq3A : vector<512x2736xf32>
    %jit3A = arith.constant 8192 : i32
    %broadcast_in_dim3A_21 = vector.broadcast %jit3A : i32 to vector<512x2736xi32>
    %select_n3A = arith.select %eq3A_20, %add3A_18, %broadcast_in_dim3A_21 : vector<512x2736xi1>, vector<512x2736xi32>
    %reduce_min3A_22 = arith.constant dense<2147483647> : vector<512xi32>
    %reduce_min3A_23 = vector.multi_reduction <minsi>, %select_n3A, %reduce_min3A_22 [1] : vector<512x2736xi32> to vector<512xi32>
    %convert_element_type3A_24 = arith.truncf %reduce_min3A_15 : vector<512xf32> to vector<512xbf16>
    %convert_element_type3A_25 = arith.extf %convert_element_type3A_24 : vector<512xbf16> to vector<512xf32>
    %slice3A_26 = vector.extract_strided_slice %sub3A {offsets = [0, 2736], sizes = [512, 2736], strides = [1, 1]} : vector<512x8192xf32> to vector<512x2736xf32>
    %reduce_min3A_27 = arith.constant dense<0x7F800000> : vector<512xf32>
    %reduce_min3A_28 = vector.multi_reduction <minimumf>, %slice3A_26, %reduce_min3A_27 [1] : vector<512x2736xf32> to vector<512xf32>
    %iota3A_29 = tpu.iota {dimensions = array<i32: 1>} : vector<512x2736xi32>
    %add3A_30 = arith.constant 2736 : i32
    %add3A_31 = vector.broadcast %add3A_30 : i32 to vector<512x2736xi32>
    %add3A_32 = arith.addi %iota3A_29, %add3A_31 : vector<512x2736xi32>
    %broadcast_in_dim3A_33 = vector.shape_cast %reduce_min3A_28 : vector<512xf32> to vector<512x1xf32>
    %eq3A_34 = vector.broadcast %broadcast_in_dim3A_33 : vector<512x1xf32> to vector<512x2736xf32>
    %eq3A_35 = arith.cmpf oeq, %slice3A_26, %eq3A_34 : vector<512x2736xf32>
    %jit3A_36 = arith.constant 8192 : i32
    %broadcast_in_dim3A_37 = vector.broadcast %jit3A_36 : i32 to vector<512x2736xi32>
    %select_n3A_38 = arith.select %eq3A_35, %add3A_32, %broadcast_in_dim3A_37 : vector<512x2736xi1>, vector<512x2736xi32>
    %reduce_min3A_39 = arith.constant dense<2147483647> : vector<512xi32>
    %reduce_min3A_40 = vector.multi_reduction <minsi>, %select_n3A_38, %reduce_min3A_39 [1] : vector<512x2736xi32> to vector<512xi32>
    %lt3A = arith.cmpf olt, %reduce_min3A_28, %convert_element_type3A_25 : vector<512xf32>
    %select_n3A_41 = arith.select %lt3A, %reduce_min3A_40, %reduce_min3A_23 : vector<512xi1>, vector<512xi32>
    %select_n3A_42 = arith.select %lt3A, %reduce_min3A_28, %reduce_min3A_15 : vector<512xi1>, vector<512xf32>
    %select_n3A_43 = arith.select %lt3A, %reduce_min3A_28, %convert_element_type3A_25 : vector<512xi1>, vector<512xf32>
    %convert_element_type3A_44 = arith.truncf %select_n3A_43 : vector<512xf32> to vector<512xbf16>
    %convert_element_type3A_45 = arith.extf %convert_element_type3A_44 : vector<512xbf16> to vector<512xf32>
    %slice3A_46 = vector.extract_strided_slice %sub3A {offsets = [0, 5472], sizes = [512, 2720], strides = [1, 1]} : vector<512x8192xf32> to vector<512x2720xf32>
    %reduce_min3A_47 = arith.constant dense<0x7F800000> : vector<512xf32>
    %reduce_min3A_48 = vector.multi_reduction <minimumf>, %slice3A_46, %reduce_min3A_47 [1] : vector<512x2720xf32> to vector<512xf32>
    %iota3A_49 = tpu.iota {dimensions = array<i32: 1>} : vector<512x2720xi32>
    %add3A_50 = arith.constant 5472 : i32
    %add3A_51 = vector.broadcast %add3A_50 : i32 to vector<512x2720xi32>
    %add3A_52 = arith.addi %iota3A_49, %add3A_51 : vector<512x2720xi32>
    %broadcast_in_dim3A_53 = vector.shape_cast %reduce_min3A_48 : vector<512xf32> to vector<512x1xf32>
    %eq3A_54 = vector.broadcast %broadcast_in_dim3A_53 : vector<512x1xf32> to vector<512x2720xf32>
    %eq3A_55 = arith.cmpf oeq, %slice3A_46, %eq3A_54 : vector<512x2720xf32>
    %jit3A_56 = arith.constant 8192 : i32
    %broadcast_in_dim3A_57 = vector.broadcast %jit3A_56 : i32 to vector<512x2720xi32>
    %select_n3A_58 = arith.select %eq3A_55, %add3A_52, %broadcast_in_dim3A_57 : vector<512x2720xi1>, vector<512x2720xi32>
    %reduce_min3A_59 = arith.constant dense<2147483647> : vector<512xi32>
    %reduce_min3A_60 = vector.multi_reduction <minsi>, %select_n3A_58, %reduce_min3A_59 [1] : vector<512x2720xi32> to vector<512xi32>
    %lt3A_61 = arith.cmpf olt, %reduce_min3A_48, %convert_element_type3A_45 : vector<512xf32>
    %select_n3A_62 = arith.select %lt3A_61, %reduce_min3A_60, %select_n3A_41 : vector<512xi1>, vector<512xi32>
    %select_n3A_63 = arith.select %lt3A_61, %reduce_min3A_48, %select_n3A_42 : vector<512xi1>, vector<512xf32>
    %swap3A = arith.constant 0 : index
    %swap3A_64 = vector.load %arg4[%swap3A] : memref<512xi32, #tpu.memory_space<vmem>>, vector<512xi32>
    tpu.vector_store %arg4[%swap3A], %select_n3A_62 {strides = array<i32>} : memref<512xi32, #tpu.memory_space<vmem>>, vector<512xi32>,
    %reduce_sum3A_65 = vector.shape_cast %select_n3A_63 : vector<512xf32> to vector<1x512xf32>
    %reduce_sum3A_66 = arith.constant dense<0.000000e+00> : vector<1xf32>
    %reduce_sum3A_67 = vector.multi_reduction <add>, %reduce_sum3A_65, %reduce_sum3A_66 [1] : vector<1x512xf32> to vector<1xf32>
    %reduce_sum3A_68 = vector.shape_cast %reduce_sum3A_67 : vector<1xf32> to vector<1x1xf32>
    %reduce_sum3A_69 = vector.extract %reduce_sum3A_68[0, 0] : f32 from vector<1x1xf32>
    %eq3A_70 = arith.constant 0 : i32
    %eq3A_71 = arith.cmpi eq, %arg0, %eq3A_70 : i32
    %convert_element_type3A_72 = arith.extui %eq3A_71 : i1 to i32
    %cond3A = arith.constant 0 : i32
    %cond3A_73 = arith.cmpi ne, %convert_element_type3A_72, %cond3A : i32
    scf.if %cond3A_73 {
      %swap3A_78 = arith.constant 0 : index
      %swap3A_79 = arith.constant 0 : index
      %swap3A_80 = memref.load %arg5[%swap3A_78, %swap3A_79] : memref<1x1xf32, #tpu.memory_space<smem>>
      memref.store %reduce_sum3A_69, %arg5[%swap3A_78, %swap3A_79] : memref<1x1xf32, #tpu.memory_space<smem>>
    } else {
    }
    %gt3A = arith.constant 0 : i32
    %gt3A_74 = arith.cmpi sgt, %arg0, %gt3A : i32
    %convert_element_type3A_75 = arith.extui %gt3A_74 : i1 to i32
    %cond3A_76 = arith.constant 0 : i32
    %cond3A_77 = arith.cmpi ne, %convert_element_type3A_75, %cond3A_76 : i32
    scf.if %cond3A_77 {
      %get3A_78 = arith.constant 0 : index
      %get3A_79 = arith.constant 0 : index
      %get3A_80 = memref.load %arg5[%get3A_78, %get3A_79] : memref<1x1xf32, #tpu.memory_space<smem>>
      %add3A_81 = arith.addf %get3A_80, %reduce_sum3A_69 : f32
      %swap3A_82 = arith.constant 0 : index
      %swap3A_83 = arith.constant 0 : index
      %swap3A_84 = memref.load %arg5[%swap3A_82, %swap3A_83] : memref<1x1xf32, #tpu.memory_space<smem>>
      memref.store %add3A_81, %arg5[%swap3A_82, %swap3A_83] : memref<1x1xf32, #tpu.memory_space<smem>>
    } else {
    }
    return
  }
  func.func @transform_0(%arg0: i32) -> (i32, i32) {
    %c0_i32 = arith.constant 0 : i32
    %c0_i32_0 = arith.constant 0 : i32
    return %arg0, %c0_i32 : i32, i32
  }
  func.func @transform_1(%arg0: i32) -> (i32, i32) {
    %c0_i32 = arith.constant 0 : i32
    %c0_i32_0 = arith.constant 0 : i32
    %c0_i32_1 = arith.constant 0 : i32
    return %c0_i32, %c0_i32_0 : i32, i32
  }
  func.func @transform_2(%arg0: i32) -> i32 {
    %c0_i32 = arith.constant 0 : i32
    %c0_i32_0 = arith.constant 0 : i32
    return %c0_i32 : i32
  }
  func.func @transform_3(%arg0: i32) -> i32 {
    %c0_i32 = arith.constant 0 : i32
    return %arg0 : i32
  }
  func.func @transform_4(%arg0: i32) -> (i32, i32) {
    %c0_i32 = arith.constant 0 : i32
    %c0_i32_0 = arith.constant 0 : i32
    %c0_i32_1 = arith.constant 0 : i32
    return %c0_i32, %c0_i32_0 : i32, i32
  }
}

module attributes {stable_mosaic.version = 14 : i64} {
  func.func @_wsq_body(%arg0: memref<8192x256xf32, #tpu.memory_space<vmem>>, %arg1: memref<8192xf32, #tpu.memory_space<vmem>>) attributes {dimension_semantics = [], scalar_prefetch = 0 : i64, scratch_operands = 0 : i64, tpu.core_type = #tpu.core_type<tc>} {
    %get3A = arith.constant 0 : index
    %get3A_0 = arith.constant 0 : index
    %get3A_1 = vector.load %arg0[%get3A, %get3A_0] : memref<8192x256xf32, #tpu.memory_space<vmem>>, vector<8192x256xf32>
    %mul3A = arith.mulf %get3A_1, %get3A_1 : vector<8192x256xf32>
    %reduce_sum3A = arith.constant dense<0.000000e+00> : vector<8192xf32>
    %reduce_sum3A_2 = vector.multi_reduction <add>, %mul3A, %reduce_sum3A [1] : vector<8192x256xf32> to vector<8192xf32>
    %swap3A = arith.constant 0 : index
    %swap3A_3 = vector.load %arg1[%swap3A] : memref<8192xf32, #tpu.memory_space<vmem>>, vector<8192xf32>
    tpu.vector_store %arg1[%swap3A], %reduce_sum3A_2 {strides = array<i32>} : memref<8192xf32, #tpu.memory_space<vmem>>, vector<8192xf32>,
    return
  }
}

</mosaic_0001>

<sc_bundles>
// kernel: kernel.6.cloned.1.call-start
scs
__scs_entry_jumppad:
0x0: {  	(pc) =	sbr.rel $0x88, $3  }
0x1: {  	(tag) =	ssettag $0x0;
	lr =	simm.s32 $0x1  }
0x2: {  	[smem:$0x3F9F] =	sst lr;
	_ =	strace $0xD0000000  }
0x3: {  	_ = 	snop  }
0x4: {  	_ = 	snop  }
0x5: {  	_ = 	snop  }
0x6: {  	_ = 	snop  }
0x7: {  	_ = 	snop  }
__scs_overlays_trampoline_lowered:
0x8: {  	[smem:$0x3FAE] =	sst s0  }
0x9: {  	[smem:$0x3FAF] =	sst s1  }
0xa: {  	[smem:$0x3FB0] =	sst s2  }
0xb: {  	[smem:$0x3FB1] =	sst s3  }
0xc: {  	[smem:$0x3FB2] =	sst s4  }
0xd: {  	[smem:$0x3FB3] =	sst s5  }
0xe: {  	[smem:$0x3FB4] =	sst s6  }
0xf: {  	[smem:$0x3FB5] =	sst s7  }
0x10: {  	[smem:$0x3FB6] =	sst s8  }
0x11: {  	[smem:$0x3FB7] =	sst s9;
	s0 =	simm.s32 @!p0 $0x0  }
0x12: {  	s1 =	sld [smem:$0x3F9D];
	s0 =	simm.s32 @p0 $0x1  }
0x13: {  	[smem:$0x3FB8] =	sst s0;
	s0 =	simm.s32 @!p1 $0x0  }
0x14: {  	s2 =	sld [smem:$0x3F9C];
	s0 =	simm.s32 @p1 $0x1  }
0x15: {  	[smem:$0x3FB9] =	sst s0;
	s0 =	simm.s32 @!p2 $0x0  }
0x16: {  	s3 =	sld [smem:$0x3FDB];
	s0 =	simm.s32 @p2 $0x1  }
0x17: {  	s4 =	simm.s32 $0x1BF5;
	[smem:$0x3FBB] =	sst s0  }
0x18: {  	s0 =	sld [smem:$0x3F9E];
	_ =	swait.ge [sflag:s4], $0x0  }
0x19: {  	s7 =	sld [smem:$0x3F9F]  }
0x1a: {  	s8 =	sadd.s32 $0xFFFFE003, lr  }
0x1b: {  	s9 =	sadd.s32 $0xFFFFFEF7, lr;
	s5 =	simm.s32 $0xFFFFFFFF;
	p2 =	slt.u32 s8, $0xFFFFF086  }
0x1c: {  	p1 =	slt.u32 s9, $0xF7A;
	s5 =	simm.s32 @!p2 $0x0  }
0x1d: {  	s5 =	simm.s32 @p1 $0x1;
	p0 =	seq.s32 s7, s2  }
0x1e: {  	s7 =	smul.u32 @!p0 $0xF7A, s2;
	p2 =	seq.s32 @!p0 s5, $0x0  }
0x1f: {  	s9 =	smul.u32 $0xF7A, s1;
	s8 =	simm.s32 @!p0 $0x1BF5;
	p2 =	por !p2, p0  }
0x20: {  	[sflag:s8] =	ssyncset.s32 @!p0 $0xFFFFF086;
	s6 =	sadd.s32 @!p0 s3, s7;
	s7 =	simm.s32 @!p0 $0x108  }
0x21: {  	s3 =	sadd.s32 s3, s9;
	s6 =	sadd.s32 @!p0 $0x88, s6;
	s7 =	simm.s32 @p2 $0x1082  }
0x22: {  	[simem:s7], [sflag:s8] =	dma.local @!p0 [hbm:s6], $0xF7A  }
0x23: {  	s9 =	sor.u32 $0xD0000000, s2;
	s6 =	simm.s32 $0x108;
	_ =	swait.ge @!p0 [sflag:s8], $0x0  }
0x24: {  	s3 =	sadd.s32 $0x88, s3;
	s6 =	simm.s32 @!p1 $0x1082;
	[sflag:s4] =	ssyncset.s32 $0xFFFFF086  }
0x25: {  	[simem:s6], [sflag:s4] =	dma.local [hbm:s3], $0xF7A  }
0x26: {  	[smem:$0x3F9F] =	sst s1;
	(tag) =	ssettag s2;
	_ =	strace s9  }
0x27: {  	s1 =	sld [smem:$0x3FAF]  }
0x28: {  	s2 =	sld [smem:$0x3FB0]  }
0x29: {  	s4 =	sld [smem:$0x3FB2]  }
0x2a: {  	p0 =	seq.s32 s5, $0x0;
	s5 =	sld [smem:$0x3FB3]  }
0x2b: {  	s6 =	sld [smem:$0x3FB4]  }
0x2c: {  	s7 =	sld [smem:$0x3FB5]  }
0x2d: {  	s3 =	simm.s32 $0x108;
	s8 =	sld [smem:$0x3FB6]  }
0x2e: {  	s3 =	simm.s32 @!p0 $0x1082;
	s9 =	sld [smem:$0x3FB7]  }
0x2f: {  	lr =	sadd.s32 s0, s3;
	s0 =	sld [smem:$0x3FAE]  }
0x30: {  	s3 =	sld [smem:$0x3FB1]  }
0x31: {  	[smem:$0x3FBA] =	sst s10  }
0x32: {  	s10 =	sld [smem:$0x3FB8];
	_ =	sdelay $0x3  }
0x33: {  	p0 =	seq.s32 s10, $0x1;
	s10 =	sld [smem:$0x3FBA];
	_ =	sdelay $0x3  }
0x34: {  	[smem:$0x3FBA] =	sst s10  }
0x35: {  	s10 =	sld [smem:$0x3FB9];
	_ =	sdelay $0x3  }
0x36: {  	p1 =	seq.s32 s10, $0x1;
	s10 =	sld [smem:$0x3FBA];
	_ =	sdelay $0x3  }
0x37: {  	[smem:$0x3FBA] =	sst s10  }
0x38: {  	s10 =	sld [smem:$0x3FBB]  }
0x39: {  	_ = 	snop;
	(pc) =	sbr.ind lr, $3  }
0x3a: {  	_ = 	snop  }
0x3b: {  	_ = 	snop  }
0x3c: {  	p2 =	seq.s32 s10, $0x1;
	s10 =	sld [smem:$0x3FBA]  }
0x3d: {  	_ =	shalt  }
0x3e: {  	_ =	shalt  }
0x3f: {  	_ =	shalt  }
0x40: {  	_ =	shalt  }
0x41: {  	_ =	shalt  }
0x42: {  	_ =	shalt  }
0x43: {  	_ =	shalt  }
0x44: {  	_ =	shalt  }
0x45: {  	_ =	shalt  }
0x46: {  	_ =	shalt  }
0x47: {  	_ =	shalt  }
0x48: {  	_ =	shalt  }
0x49: {  	_ =	shalt  }
0x4a: {  	_ =	shalt  }
0x4b: {  	_ =	shalt  }
0x4c: {  	_ =	shalt  }
0x4d: {  	_ =	shalt  }
0x4e: {  	_ =	shalt  }
0x4f: {  	_ =	shalt  }
0x50: {  	_ =	shalt  }
0x51: {  	_ =	shalt  }
0x52: {  	_ =	shalt  }
0x53: {  	_ =	shalt  }
0x54: {  	_ =	shalt  }
0x55: {  	_ =	shalt  }
0x56: {  	_ =	shalt  }
0x57: {  	_ =	shalt  }
0x58: {  	_ =	shalt  }
0x59: {  	_ =	shalt  }
0x5a: {  	_ =	shalt  }
0x5b: {  	_ =	shalt  }
0x5c: {  	_ =	shalt  }
0x5d: {  	_ =	shalt  }
0x5e: {  	_ =	shalt  }
0x5f: {  	_ =	shalt  }
0x60: {  	_ =	shalt  }
0x61: {  	_ =	shalt  }
0x62: {  	_ =	shalt  }
0x63: {  	_ =	shalt  }
0x64: {  	_ =	shalt  }
0x65: {  	_ =	shalt  }
0x66: {  	_ =	shalt  }
0x67: {  	_ =	shalt  }
0x68: {  	_ =	shalt  }
0x69: {  	_ =	shalt  }
0x6a: {  	_ =	shalt  }
0x6b: {  	_ =	shalt  }
0x6c: {  	_ =	shalt  }
0x6d: {  	_ =	shalt  }
0x6e: {  	_ =	shalt  }
0x6f: {  	_ =	shalt  }
0x70: {  	_ =	shalt  }
0x71: {  	_ =	shalt  }
0x72: {  	_ =	shalt  }
0x73: {  	_ =	shalt  }
0x74: {  	_ =	shalt  }
0x75: {  	_ =	shalt  }
0x76: {  	_ =	shalt  }
0x77: {  	_ =	shalt  }
0x78: {  	_ =	shalt  }
0x79: {  	_ =	shalt  }
0x7a: {  	_ =	shalt  }
0x7b: {  	_ =	shalt  }
0x7c: {  	_ =	shalt  }
0x7d: {  	_ =	shalt  }
0x7e: {  	_ =	shalt  }
0x7f: {  	_ =	shalt  }
0x80: {  	_ =	shalt  }
0x81: {  	_ =	shalt  }
0x82: {  	_ =	shalt  }
0x83: {  	_ =	shalt  }
0x84: {  	_ =	shalt  }
0x85: {  	_ =	shalt  }
0x86: {  	_ =	shalt  }
0x87: {  	_ =	shalt  }
.Lfunc_end0:
.L_simem_size_0:
called_computation_lowered:
.L_overlay_start_0:
0x88: {  	s2 =	sld [smem:$0x3FD9]  }
0x89: {  	s3 =	sld [smem:$0x3FFE];
	_ =	sdelay $0x1  }
0x8a: {  	s1 =	srdreg.scid  }
0x8b: {  	s0 =	sand.u32 $0x1, s1  }
0x8c: {  	s14 =	sshll.u32 s0, $0xA;
	s2 =	sadd.s32 s3, s2  }
0x8d: {  	s2 =	sadd.s32 s2, s14  }
0x8e: {  	[smem:$0x3FC6] =	sst s2  }
0x8f: {  	_ = 	snop  }
0x90: {  	s2 =	sld [smem:$0x3FD0];
	_ =	sdelay $0x2  }
0x91: {  	s4 =	simm.s32 $0xA;
	s5 =	simm.s32 $0x10;
	s15 =	sld [smem:$0x3FC8]  }
0x92: {  	[smem:s5], [sflag:s4] =	dma.local [hbm:s2], $0x1  }
0x93: {  	_ =	swait.eq [sflag:s4], $0x1  }
0x94: {  	[sflag:s4] =	ssyncset.done $0x0  }
0x95: {  	s16 =	sld [smem:$0x11];
	[sflag:s4] =	ssyncadd.s32 $0xFFFFFFFF  }
0x96: {  	s17 =	sld [smem:$0x13];
	(tm) =	ssettm $0x1  }
0x97: {  	s18 =	sld [smem:$0x3FFB];
	_ =	sdelay $0x3  }
0x98: {  	_ =	strace s18  }
0x99: {  	s5 =	sld [smem:$0x3FFC];
	_ =	sdelay $0x3  }
0x9a: {  	_ =	strace s5  }
0x9b: {  	s5 =	sld [smem:$0x3FFD];
	_ =	sdelay $0x3  }
0x9c: {  	_ =	strace s5  }
0x9d: {  	_ =	strace $0x8FFFFFFF  }
0x9e: {  	s19 =	sld [smem:$0x3FDB];
	_ =	sdelay $0x1  }
0x9f: {  	s6 =	simm.s32 $_scs_section_size  }
0xa0: {  	s7 =	simm.s32 $_size__tile_overlayer_lowered;
	s8 =	simm.s32 $_tile_overlayer_lowered  }
0xa1: {  	s22 =	simm.s32 $0x1BFF;
	s21 =	sshll.u32 s8, $0x1;
	s5 =	sadd.s32 s6, s19  }
0xa2: {  	s9 =	simm.s32 $0x0;
	s20 =	sshll.u32 s7, $0x1;
	s7 =	sadd.s32 s21, s5  }
0xa3: {  	[timem:s9], [sflag:s22] =	dma.local [hbm:s7], s20  }
0xa4: {  	_ =	swait.ge [sflag:s22], s20  }
0xa5: {  	s6 =	ssub.s32 $0x0, s20;
	[sflag:s22] =	ssyncset.done $0x0  }
0xa6: {  	[sflag:s22] =	ssyncadd.s32 s6;
	_ =	sdelay $0x1  }
0xa7: {  	s23 =	simm.s32 $0x1B8B  }
0xa8: {  	_ =	swait.ge [sflag:s23], $0x1  }
0xa9: {  	[sflag:s23] =	ssyncset.done $0x0  }
0xaa: {  	s25 =	simm.s32 $0x1B8E;
	s24 =	sld [smem:$0x3FFE];
	[sflag:s23] =	ssyncadd.s32 $0xFFFFFFFF  }
0xab: {  	s26 =	simm.s32 $execute0_lowered;
	[smem:$0x3FD2] =	sst s25  }
0xac: {  	s7 =	sshll.u32 s26, $0x1;
	_ =	strace $0x80000046;
	[dreg:$0x1] =	wrdreg $0xFFFFFFFF  }
0xad: {  	s28 =	simm.s32 $_size_execute0_lowered;
	s5 =	sadd.s32 s5, s7;
	[dreg:$0x0] =	wrdreg $0x0  }
0xae: {  	s7 =	sshll.u32 s28, $0x1;
	[dreg:$0x2] =	wrdreg s5  }
0xaf: {  	[dreg:$0x3] =	wrdreg s7  }
0xb0: {  	[dreg:$0x4] =	wrdreg $0xC0  }
0xb1: {  	_ =	task [dreg:s9], $0x5FFFF  }
0xb2: {  	[dreg:$0x1] =	wrdreg $0xFFFFFFFF  }
0xb3: {  	[dreg:$0x0] =	wrdreg $0x60  }
0xb4: {  	[dreg:$0x2] =	wrdreg s15  }
0xb5: {  	[dreg:$0x3] =	wrdreg s17  }
0xb6: {  	[dreg:$0x4] =	wrdreg s16  }
0xb7: {  	[dreg:$0x5] =	wrdreg s24  }
0xb8: {  	[dreg:$0x6] =	wrdreg $0x9  }
0xb9: {  	_ =	task.clear_ibuf [dreg:s9], $0x7FFFF;
	_ =	strace $0x90000046  }
0xba: {  	s29 =	simm.s32 $0x9;
	_ =	strace $0x80000048  }
0xbb: {  	_ =	swait.ge [sflag:s29], $0x1  }
0xbc: {  	[sflag:s29] =	ssyncadd.s32 $0xFFFFFFFF  }
0xbd: {  	_ =	strace $0x90000048  }
0xbe: {  	_ =	sfence  }
0xbf: {  	s30 =	sld [smem:$0x0];
	_ =	sdelay $0x2  }
0xc0: {  	s31 =	sshll.u32 s1, $0xD;
	s1 =	sshrl.u32 s1, $0x2  }
0xc1: {  	s3 =	sand.u32 $0x4000, s31;
	s1 =	sadd.s32 s1, s30  }
0xc2: {  	s0 =	sor.u32 s3, s0;
	s1 =	sshll.u32 s1, $0x11  }
0xc3: {  	s0 =	sor.u32 s1, s0  }
0xc4: {  	s0 =	sadd.s32 $0x8F2B, s0  }
0xc5: {  	[sflag:s0] =	ssyncadd.remote.s32 $0x1  }
0xc6: {  	_ =	sfence.sel $0xFFFF  }
0xc7: {  	[dreg:$0x0] =	wrdreg $0xFFFFFFFF;
	(pc) =	sbr.abs _section_cstart, $3  }
0xc8: {  	[dreg:$0x1] =	wrdreg $0xFFFFFFFF  }
0xc9: {  	_ =	task.clear_ibuf [dreg:s9], $0x2FFFF;
	_ =	strace $0x9FFFFFFF  }
0xca: {  	(tm) =	ssettm $0x7FFFFFFF  }
0xcb: {  	_ =	shalt  }
tec
execute0_lowered:
.L_overlay_start_1:
0x0: {  	(tag) =	ssettag $0x1  }
0x1: {  	s1 =	rddreg [dreg:$0x0]  }
0x2: {  	s4 =	rddreg [dreg:$0x1]  }
0x3: {  	s0 =	srdreg.scid;
	s5 =	rddreg [dreg:$0x2]  }
0x4: {  	s3 =	stileid.u32;
	s7 =	rddreg [dreg:$0x3]  }
0x5: {  	s28 =	simm.s32 $0x2080;
	s29 =	simm.s32 $0x2880;
	s30 =	simm.s32 $0x3080  }
0x6: {  	s31 =	simm.s32 $0x3880;
	s0 =	sand.u32 $0x1, s0;
	s2 =	sshll.u32 s3, $0x1  }
0x7: {  	s3 =	sshll.u32 s3, $0xE;
	s2 =	sor.u32 s0, s2;
	s0 =	ssub.s32 $0x2, s0  }
0x8: {  	s6 =	sshll.u32 s2, $0x7;
	s25 =	sshrl.u32 s0, $0x1;
	s26 =	sshll.u32 s2, $0xA  }
0x9: {  	s2 =	sshll.u32 s2, $0xF;
	s8 =	sor.u32 s3, s6;
	s3 =	simm.s32 $0x0  }
0xa: {  	s0 =	ssub.s32 s0, s25;
	s6 =	sadd.s32 s4, s6;
	s2 =	sadd.s32 s5, s2  }
0xb: {  	s10 =	sor.u32 $0x80, s26;
	s9 =	sor.u32 $0x100, s26;
	s14 =	sor.u32 $0x180, s26  }
0xc: {  	s17 =	sor.u32 $0x200, s26;
	s19 =	sor.u32 $0x280, s26;
	s22 =	sor.u32 $0x300, s26  }
0xd: {  	s8 =	sand.u32 $0x30380, s8;
	[smem:$0x7FF] =	sst s3;
	s11 =	sshrl.u32 s10, $0x3  }
0xe: {  	s12 =	sshrl.u32 s9, $0x3;
	s13 =	sshll.u32 s9, $0x5;
	s15 =	sshrl.u32 s14, $0x3  }
0xf: {  	s18 =	sshrl.u32 s17, $0x3;
	s20 =	sshrl.u32 s19, $0x3;
	s21 =	sshll.u32 s19, $0x5  }
0x10: {  	s23 =	sshrl.u32 s22, $0x3;
	s24 =	sshll.u32 s22, $0x5;
	s22 =	simm.s32 $0x2  }
0x11: {  	s9 =	simm.s32 $0x7880;
	_ =	strace $0x80000047;
	[dreg:$0x5] =	wrdreg s6  }
0x12: {  	s8 =	sshrl.u32 s8, $0x3;
	[dreg:$0x6] =	wrdreg s2;
	s2 =	sshll.u32 s10, $0x5  }
0x13: {  	s6 =	sadd.s32 s4, s11;
	s10 =	simm.s32 $0x1;
	s11 =	simm.s32 $0x8080  }
0x14: {  	s7 =	sadd.s32 s8, s7;
	[dreg:$0x7] =	wrdreg s6;
	s2 =	sadd.s32 s5, s2  }
0x15: {  	s6 =	sshll.u32 s14, $0x5;
	s8 =	sor.u32 $0x380, s26;
	[dreg:$0x8] =	wrdreg s2  }
0x16: {  	s2 =	sadd.s32 s4, s12;
	s16 =	sadd.s32 s5, s6;
	s6 =	sadd.s32 s4, s18  }
0x17: {  	s25 =	sshrl.u32 s8, $0x3;
	s26 =	sshll.u32 s8, $0x5;
	[dreg:$0x9] =	wrdreg s2  }
0x18: {  	s8 =	simm.s32 $0x7080;
	s12 =	simm.s32 $0x0;
	[dreg:$0xc] =	wrdreg s16  }
0x19: {  	s2 =	sadd.s32 s5, s13;
	[dreg:$0xd] =	wrdreg s6;
	s16 =	sadd.s32 s4, s23  }
0x1a: {  	s18 =	sadd.s32 s4, s25;
	s19 =	sadd.s32 s5, s26;
	s23 =	simm.s32 $0x80  }
0x1b: {  	s25 =	simm.s32 $0x1080;
	s26 =	simm.s32 $0x1880;
	s6 =	simm.s32 $0x6080  }
0x1c: {  	[dreg:$0xa] =	wrdreg s2;
	s2 =	sadd.s32 s4, s15;
	s15 =	sadd.s32 s5, s21  }
0x1d: {  	s21 =	smax.u32 s0, $0x1;
	[dreg:$0xb] =	wrdreg s2;
	s2 =	sshll.u32 s17, $0x5  }
0x1e: {  	s0 =	simm.s32 $0x4880;
	s17 =	sadd.s32 s5, s24;
	s2 =	sadd.s32 s5, s2  }
0x1f: {  	v3 =	vlaneseq.u32;
	v0 =	vimm.f32 $0.0e+00;
	s24 =	simm.s32 $0x880;
	s5 =	simm.s32 $0x5880;
	[dreg:$0xe] =	wrdreg s2  }
0x20: {  	vm0 =	vmmov $0xffff;
	v4 =	vimm.f32 $1.000000000e+00;
	v2 =	vshrl.u32 v3, $0x3;
	s2 =	sadd.s32 s4, s20;
	s20 =	sadd.s32 $0x1200, s7;
	s4 =	simm.s32 $0x5080  }
0x21: {  	v1 =	vand.u32 $0x7, v3;
	v3 =	vor.u32 $0x8, v3;
	v2 =	vmul.u32 $0x8, v2;
	s7 =	simm.s32 $0x6880;
	[dreg:$0xf] =	wrdreg s2;
	s2 =	simm.s32 $0x4080  }
.LBB2_1:
0x22: {  	s13 =	simm.s32 $0x40;
	s14 =	simm.s32 $0x0  }
.LBB2_2:
0x23: {  	p0 =	sne.s32 s13, $0x7FC0;
	[tilespmem:s14+$0x8080] =	vst v0;
	s14 =	smov.u32 s13;
	s13 =	sadd.s32 $0x40, s13  }
.Ltmp0:
0x24: {  	(pc) =	sbr.rel @p0 .LBB2_2-.Ltmp0, $2  }
0x25: {  	_ =	sdelay $0x2  }
0x26: {  	s14 =	sshra.s32 s14, $0x2  }
0x27: {  	[tilespmem:s14+$0x8080] =	vst v0;
	s13 =	rddreg [dreg:$0x5]  }
0x28: {  	[tilespmem:s3], [sflag:$0x2] =	stream.linear.gather [hbm4b:s13+s3], $0x80, $0x38;
	[tilespmem:$0xA080] =	vst v63  }
0x29: {  	_ =	swait.ge [sflag:s22], $0x80  }
0x2a: {  	[sflag:s22] =	ssyncset.done $0x0  }
0x2b: {  	[sflag:s22] =	ssyncadd.s32 $0xFFFFFF80  }
0x2c: {  	v5 =	vld [tilespmem:$0x0];
	_ =	sdelay $0x4  }
0x2d: {  	v6 =	vshll.u32 v5, $0x1  }
0x2e: {  	v5 =	vand.u32 $0x7, v5;
	v6 =	vand.u32 $0xFFFFFFF0, v6  }
0x2f: {  	v5 =	vor.u32 v5, v6  }
0x30: {  	v6 =	vperm.xlane v5, v1;
	_ =	sdelay $0x1  }
0x31: {  	v5 =	vperm.xlane v5, v3;
	v6 =	vadd.s32 v2, v6;
	_ =	sdelay $0x1  }
0x32: {  	v5 =	vadd.s32 v2, v5;
	_ =	sdelay $0x2  }
0x33: {  	[tilespmem:s23], [sflag:$0x1] =	stream.indirect_vreg.gather [hbm4b:s1+s3], $0x80, v6, vm0, $0xb8;
	[tilespmem:$0xA080] =	vst v63  }
0x34: {  	_ = 	snop  }
0x35: {  	[tilespmem:s24], [sflag:$0x1] =	stream.indirect_vreg.gather [hbm4b:s1+s3], $0x80, v5, vm0, $0xb8;
	[tilespmem:$0xA080] =	vst v63  }
0x36: {  	v5 =	vld [tilespmem:$0x10];
	_ =	sdelay $0x4  }
0x37: {  	v6 =	vshll.u32 v5, $0x1  }
0x38: {  	v5 =	vand.u32 $0x7, v5;
	v6 =	vand.u32 $0xFFFFFFF0, v6  }
0x39: {  	v5 =	vor.u32 v5, v6  }
0x3a: {  	v6 =	vperm.xlane v5, v1;
	_ =	sdelay $0x1  }
0x3b: {  	v5 =	vperm.xlane v5, v3;
	v6 =	vadd.s32 v2, v6;
	_ =	sdelay $0x1  }
0x3c: {  	v5 =	vadd.s32 v2, v5;
	_ =	sdelay $0x2  }
0x3d: {  	[tilespmem:s25], [sflag:$0x1] =	stream.indirect_vreg.gather [hbm4b:s1+s3], $0x80, v6, vm0, $0xb8;
	[tilespmem:$0xA080] =	vst v63  }
0x3e: {  	_ = 	snop  }
0x3f: {  	[tilespmem:s26], [sflag:$0x1] =	stream.indirect_vreg.gather [hbm4b:s1+s3], $0x80, v5, vm0, $0xb8;
	[tilespmem:$0xA080] =	vst v63  }
0x40: {  	v5 =	vld [tilespmem:$0x20];
	_ =	sdelay $0x4  }
0x41: {  	v6 =	vshll.u32 v5, $0x1  }
0x42: {  	v5 =	vand.u32 $0x7, v5;
	v6 =	vand.u32 $0xFFFFFFF0, v6  }
0x43: {  	v5 =	vor.u32 v5, v6  }
0x44: {  	v6 =	vperm.xlane v5, v1;
	_ =	sdelay $0x1  }
0x45: {  	v5 =	vperm.xlane v5, v3;
	v6 =	vadd.s32 v2, v6;
	_ =	sdelay $0x1  }
0x46: {  	v5 =	vadd.s32 v2, v5;
	_ =	sdelay $0x2  }
0x47: {  	[tilespmem:s28], [sflag:$0x1] =	stream.indirect_vreg.gather [hbm4b:s1+s3], $0x80, v6, vm0, $0xb8;
	[tilespmem:$0xA080] =	vst v63  }
0x48: {  	_ = 	snop  }
0x49: {  	[tilespmem:s29], [sflag:$0x1] =	stream.indirect_vreg.gather [hbm4b:s1+s3], $0x80, v5, vm0, $0xb8;
	[tilespmem:$0xA080] =	vst v63  }
0x4a: {  	v5 =	vld [tilespmem:$0x30];
	_ =	sdelay $0x4  }
0x4b: {  	v6 =	vshll.u32 v5, $0x1  }
0x4c: {  	v5 =	vand.u32 $0x7, v5;
	v6 =	vand.u32 $0xFFFFFFF0, v6  }
0x4d: {  	v5 =	vor.u32 v5, v6  }
0x4e: {  	v6 =	vperm.xlane v5, v1;
	_ =	sdelay $0x1  }
0x4f: {  	v5 =	vperm.xlane v5, v3;
	v6 =	vadd.s32 v2, v6;
	_ =	sdelay $0x1  }
0x50: {  	v5 =	vadd.s32 v2, v5;
	_ =	sdelay $0x2  }
0x51: {  	[tilespmem:s30], [sflag:$0x1] =	stream.indirect_vreg.gather [hbm4b:s1+s3], $0x80, v6, vm0, $0xb8;
	[tilespmem:$0xA080] =	vst v63  }
0x52: {  	_ = 	snop  }
0x53: {  	[tilespmem:s31], [sflag:$0x1] =	stream.indirect_vreg.gather [hbm4b:s1+s3], $0x80, v5, vm0, $0xb8;
	[tilespmem:$0xA080] =	vst v63  }
0x54: {  	v5 =	vld [tilespmem:$0x40];
	_ =	sdelay $0x4  }
0x55: {  	v6 =	vshll.u32 v5, $0x1  }
0x56: {  	v5 =	vand.u32 $0x7, v5;
	v6 =	vand.u32 $0xFFFFFFF0, v6  }
0x57: {  	v5 =	vor.u32 v5, v6  }
0x58: {  	v6 =	vperm.xlane v5, v1;
	_ =	sdelay $0x1  }
0x59: {  	v5 =	vperm.xlane v5, v3;
	v6 =	vadd.s32 v2, v6;
	_ =	sdelay $0x1  }
0x5a: {  	v5 =	vadd.s32 v2, v5;
	_ =	sdelay $0x2  }
0x5b: {  	[tilespmem:s2], [sflag:$0x1] =	stream.indirect_vreg.gather [hbm4b:s1+s3], $0x80, v6, vm0, $0xb8;
	[tilespmem:$0xA080] =	vst v63  }
0x5c: {  	_ = 	snop  }
0x5d: {  	[tilespmem:s0], [sflag:$0x1] =	stream.indirect_vreg.gather [hbm4b:s1+s3], $0x80, v5, vm0, $0xb8;
	[tilespmem:$0xA080] =	vst v63  }
0x5e: {  	v5 =	vld [tilespmem:$0x50];
	_ =	sdelay $0x4  }
0x5f: {  	v6 =	vshll.u32 v5, $0x1  }
0x60: {  	v5 =	vand.u32 $0x7, v5;
	v6 =	vand.u32 $0xFFFFFFF0, v6  }
0x61: {  	v5 =	vor.u32 v5, v6  }
0x62: {  	v6 =	vperm.xlane v5, v1;
	_ =	sdelay $0x1  }
0x63: {  	v5 =	vperm.xlane v5, v3;
	v6 =	vadd.s32 v2, v6;
	_ =	sdelay $0x1  }
0x64: {  	v5 =	vadd.s32 v2, v5;
	_ =	sdelay $0x2  }
0x65: {  	[tilespmem:s4], [sflag:$0x1] =	stream.indirect_vreg.gather [hbm4b:s1+s3], $0x80, v6, vm0, $0xb8;
	[tilespmem:$0xA080] =	vst v63  }
0x66: {  	_ = 	snop  }
0x67: {  	[tilespmem:s5], [sflag:$0x1] =	stream.indirect_vreg.gather [hbm4b:s1+s3], $0x80, v5, vm0, $0xb8;
	[tilespmem:$0xA080] =	vst v63  }
0x68: {  	v5 =	vld [tilespmem:$0x60];
	_ =	sdelay $0x4  }
0x69: {  	v6 =	vshll.u32 v5, $0x1  }
0x6a: {  	v5 =	vand.u32 $0x7, v5;
	v6 =	vand.u32 $0xFFFFFFF0, v6  }
0x6b: {  	v5 =	vor.u32 v5, v6  }
0x6c: {  	v6 =	vperm.xlane v5, v1;
	_ =	sdelay $0x1  }
0x6d: {  	v5 =	vperm.xlane v5, v3;
	v6 =	vadd.s32 v2, v6;
	_ =	sdelay $0x1  }
0x6e: {  	v5 =	vadd.s32 v2, v5;
	_ =	sdelay $0x2  }
0x6f: {  	[tilespmem:s6], [sflag:$0x1] =	stream.indirect_vreg.gather [hbm4b:s1+s3], $0x80, v6, vm0, $0xb8;
	[tilespmem:$0xA080] =	vst v63  }
0x70: {  	_ = 	snop  }
0x71: {  	[tilespmem:s7], [sflag:$0x1] =	stream.indirect_vreg.gather [hbm4b:s1+s3], $0x80, v5, vm0, $0xb8;
	[tilespmem:$0xA080] =	vst v63  }
0x72: {  	v5 =	vld [tilespmem:$0x70];
	_ =	sdelay $0x4  }
0x73: {  	v6 =	vshll.u32 v5, $0x1  }
0x74: {  	v5 =	vand.u32 $0x7, v5;
	v6 =	vand.u32 $0xFFFFFFF0, v6  }
0x75: {  	v5 =	vor.u32 v5, v6  }
0x76: {  	v6 =	vperm.xlane v5, v1;
	_ =	sdelay $0x1  }
0x77: {  	v5 =	vperm.xlane v5, v3;
	v6 =	vadd.s32 v2, v6;
	_ =	sdelay $0x1  }
0x78: {  	v5 =	vadd.s32 v2, v5;
	_ =	sdelay $0x2  }
0x79: {  	[tilespmem:s8], [sflag:$0x1] =	stream.indirect_vreg.gather [hbm4b:s1+s3], $0x80, v6, vm0, $0xb8;
	[tilespmem:$0xA080] =	vst v63  }
0x7a: {  	_ = 	snop  }
0x7b: {  	[tilespmem:s9], [sflag:$0x1] =	stream.indirect_vreg.gather [hbm4b:s1+s3], $0x80, v5, vm0, $0xb8;
	[tilespmem:$0xA080] =	vst v63  }
0x7c: {  	_ =	swait.ge [sflag:s10], $0x8000  }
0x7d: {  	[sflag:s10] =	ssyncset.done $0x0  }
0x7e: {  	s14 =	rddreg [dreg:$0x6];
	[sflag:s10] =	ssyncadd.s32 $0xFFFF8000  }
0x7f: {  	[hbm4b:s14+s3] =	stream.linear.scatter [tilespmem:s23], [sflag:$0x2], $0x8000, $0x38;
	[tilespmem:$0xA080] =	vst v63  }
0x80: {  	_ =	swait.ge [sflag:s22], $0x8000  }
0x81: {  	[sflag:s22] =	ssyncset.done $0x0  }
0x82: {  	[sflag:s22] =	ssyncadd.s32 $0xFFFF8000  }
0x83: {  	v5 =	vld [tilespmem:$0x0];
	_ =	sdelay $0x7  }
0x84: {  	[tilespmem:v5+s11+$0x0] =	vst.idx.add.f32.msk $0xffff, v4  }
0x85: {  	v5 =	vld [tilespmem:$0x10];
	_ =	sdelay $0x7  }
0x86: {  	[tilespmem:v5+s11+$0x0] =	vst.idx.add.f32.msk $0xffff, v4  }
0x87: {  	v5 =	vld [tilespmem:$0x20];
	_ =	sdelay $0x7  }
0x88: {  	[tilespmem:v5+s11+$0x0] =	vst.idx.add.f32.msk $0xffff, v4  }
0x89: {  	v5 =	vld [tilespmem:$0x30];
	_ =	sdelay $0x7  }
0x8a: {  	[tilespmem:v5+s11+$0x0] =	vst.idx.add.f32.msk $0xffff, v4  }
0x8b: {  	v5 =	vld [tilespmem:$0x40];
	_ =	sdelay $0x7  }
0x8c: {  	[tilespmem:v5+s11+$0x0] =	vst.idx.add.f32.msk $0xffff, v4  }
0x8d: {  	v5 =	vld [tilespmem:$0x50];
	_ =	sdelay $0x7  }
0x8e: {  	[tilespmem:v5+s11+$0x0] =	vst.idx.add.f32.msk $0xffff, v4  }
0x8f: {  	v5 =	vld [tilespmem:$0x60];
	_ =	sdelay $0x7  }
0x90: {  	[tilespmem:v5+s11+$0x0] =	vst.idx.add.f32.msk $0xffff, v4  }
0x91: {  	v5 =	vld [tilespmem:$0x70];
	_ =	sdelay $0x7  }
0x92: {  	s14 =	rddreg [dreg:$0x7];
	[tilespmem:v5+s11+$0x0] =	vst.idx.add.f32.msk $0xffff, v4  }
0x93: {  	[tilespmem:s3], [sflag:$0x2] =	stream.linear.gather [hbm4b:s14+s3], $0x80, $0x38;
	[tilespmem:$0xA080] =	vst v63  }
0x94: {  	_ =	swait.ge [sflag:s22], $0x80  }
0x95: {  	[sflag:s22] =	ssyncset.done $0x0  }
0x96: {  	[sflag:s22] =	ssyncadd.s32 $0xFFFFFF80  }
0x97: {  	v5 =	vld [tilespmem:$0x0];
	_ =	sdelay $0x4  }
0x98: {  	v6 =	vshll.u32 v5, $0x1  }
0x99: {  	v5 =	vand.u32 $0x7, v5;
	v6 =	vand.u32 $0xFFFFFFF0, v6  }
0x9a: {  	v5 =	vor.u32 v5, v6  }
0x9b: {  	v6 =	vperm.xlane v5, v1;
	_ =	sdelay $0x1  }
0x9c: {  	v5 =	vperm.xlane v5, v3;
	v6 =	vadd.s32 v2, v6;
	_ =	sdelay $0x1  }
0x9d: {  	v5 =	vadd.s32 v2, v5;
	_ =	sdelay $0x2  }
0x9e: {  	[tilespmem:s23], [sflag:$0x1] =	stream.indirect_vreg.gather [hbm4b:s1+s3], $0x80, v6, vm0, $0xb8;
	[tilespmem:$0xA080] =	vst v63  }
0x9f: {  	_ = 	snop  }
0xa0: {  	[tilespmem:s24], [sflag:$0x1] =	stream.indirect_vreg.gather [hbm4b:s1+s3], $0x80, v5, vm0, $0xb8;
	[tilespmem:$0xA080] =	vst v63  }
0xa1: {  	v5 =	vld [tilespmem:$0x10];
	_ =	sdelay $0x4  }
0xa2: {  	v6 =	vshll.u32 v5, $0x1  }
0xa3: {  	v5 =	vand.u32 $0x7, v5;
	v6 =	vand.u32 $0xFFFFFFF0, v6  }
0xa4: {  	v5 =	vor.u32 v5, v6  }
0xa5: {  	v6 =	vperm.xlane v5, v1;
	_ =	sdelay $0x1  }
0xa6: {  	v5 =	vperm.xlane v5, v3;
	v6 =	vadd.s32 v2, v6;
	_ =	sdelay $0x1  }
0xa7: {  	v5 =	vadd.s32 v2, v5;
	_ =	sdelay $0x2  }
0xa8: {  	[tilespmem:s25], [sflag:$0x1] =	stream.indirect_vreg.gather [hbm4b:s1+s3], $0x80, v6, vm0, $0xb8;
	[tilespmem:$0xA080] =	vst v63  }
0xa9: {  	_ = 	snop  }
0xaa: {  	[tilespmem:s26], [sflag:$0x1] =	stream.indirect_vreg.gather [hbm4b:s1+s3], $0x80, v5, vm0, $0xb8;
	[tilespmem:$0xA080] =	vst v63  }
0xab: {  	v5 =	vld [tilespmem:$0x20];
	_ =	sdelay $0x4  }
0xac: {  	v6 =	vshll.u32 v5, $0x1  }
0xad: {  	v5 =	vand.u32 $0x7, v5;
	v6 =	vand.u32 $0xFFFFFFF0, v6  }
0xae: {  	v5 =	vor.u32 v5, v6  }
0xaf: {  	v6 =	vperm.xlane v5, v1;
	_ =	sdelay $0x1  }
0xb0: {  	v5 =	vperm.xlane v5, v3;
	v6 =	vadd.s32 v2, v6;
	_ =	sdelay $0x1  }
0xb1: {  	v5 =	vadd.s32 v2, v5;
	_ =	sdelay $0x2  }
0xb2: {  	[tilespmem:s28], [sflag:$0x1] =	stream.indirect_vreg.gather [hbm4b:s1+s3], $0x80, v6, vm0, $0xb8;
	[tilespmem:$0xA080] =	vst v63  }
0xb3: {  	_ = 	snop  }
0xb4: {  	[tilespmem:s29], [sflag:$0x1] =	stream.indirect_vreg.gather [hbm4b:s1+s3], $0x80, v5, vm0, $0xb8;
	[tilespmem:$0xA080] =	vst v63  }
0xb5: {  	v5 =	vld [tilespmem:$0x30];
	_ =	sdelay $0x4  }
0xb6: {  	v6 =	vshll.u32 v5, $0x1  }
0xb7: {  	v5 =	vand.u32 $0x7, v5;
	v6 =	vand.u32 $0xFFFFFFF0, v6  }
0xb8: {  	v5 =	vor.u32 v5, v6  }
0xb9: {  	v6 =	vperm.xlane v5, v1;
	_ =	sdelay $0x1  }
0xba: {  	v5 =	vperm.xlane v5, v3;
	v6 =	vadd.s32 v2, v6;
	_ =	sdelay $0x1  }
0xbb: {  	v5 =	vadd.s32 v2, v5;
	_ =	sdelay $0x2  }
0xbc: {  	[tilespmem:s30], [sflag:$0x1] =	stream.indirect_vreg.gather [hbm4b:s1+s3], $0x80, v6, vm0, $0xb8;
	[tilespmem:$0xA080] =	vst v63  }
0xbd: {  	_ = 	snop  }
0xbe: {  	[tilespmem:s31], [sflag:$0x1] =	stream.indirect_vreg.gather [hbm4b:s1+s3], $0x80, v5, vm0, $0xb8;
	[tilespmem:$0xA080] =	vst v63  }
0xbf: {  	v5 =	vld [tilespmem:$0x40];
	_ =	sdelay $0x4  }
0xc0: {  	v6 =	vshll.u32 v5, $0x1  }
0xc1: {  	v5 =	vand.u32 $0x7, v5;
	v6 =	vand.u32 $0xFFFFFFF0, v6  }
0xc2: {  	v5 =	vor.u32 v5, v6  }
0xc3: {  	v6 =	vperm.xlane v5, v1;
	_ =	sdelay $0x1  }
0xc4: {  	v5 =	vperm.xlane v5, v3;
	v6 =	vadd.s32 v2, v6;
	_ =	sdelay $0x1  }
0xc5: {  	v5 =	vadd.s32 v2, v5;
	_ =	sdelay $0x2  }
0xc6: {  	[tilespmem:s2], [sflag:$0x1] =	stream.indirect_vreg.gather [hbm4b:s1+s3], $0x80, v6, vm0, $0xb8;
	[tilespmem:$0xA080] =	vst v63  }
0xc7: {  	_ = 	snop  }
0xc8: {  	[tilespmem:s0], [sflag:$0x1] =	stream.indirect_vreg.gather [hbm4b:s1+s3], $0x80, v5, vm0, $0xb8;
	[tilespmem:$0xA080] =	vst v63  }
0xc9: {  	v5 =	vld [tilespmem:$0x50];
	_ =	sdelay $0x4  }
0xca: {  	v6 =	vshll.u32 v5, $0x1  }
0xcb: {  	v5 =	vand.u32 $0x7, v5;
	v6 =	vand.u32 $0xFFFFFFF0, v6  }
0xcc: {  	v5 =	vor.u32 v5, v6  }
0xcd: {  	v6 =	vperm.xlane v5, v1;
	_ =	sdelay $0x1  }
0xce: {  	v5 =	vperm.xlane v5, v3;
	v6 =	vadd.s32 v2, v6;
	_ =	sdelay $0x1  }
0xcf: {  	v5 =	vadd.s32 v2, v5;
	_ =	sdelay $0x2  }
0xd0: {  	[tilespmem:s4], [sflag:$0x1] =	stream.indirect_vreg.gather [hbm4b:s1+s3], $0x80, v6, vm0, $0xb8;
	[tilespmem:$0xA080] =	vst v63  }
0xd1: {  	_ = 	snop  }
0xd2: {  	[tilespmem:s5], [sflag:$0x1] =	stream.indirect_vreg.gather [hbm4b:s1+s3], $0x80, v5, vm0, $0xb8;
	[tilespmem:$0xA080] =	vst v63  }
0xd3: {  	v5 =	vld [tilespmem:$0x60];
	_ =	sdelay $0x4  }
0xd4: {  	v6 =	vshll.u32 v5, $0x1  }
0xd5: {  	v5 =	vand.u32 $0x7, v5;
	v6 =	vand.u32 $0xFFFFFFF0, v6  }
0xd6: {  	v5 =	vor.u32 v5, v6  }
0xd7: {  	v6 =	vperm.xlane v5, v1;
	_ =	sdelay $0x1  }
0xd8: {  	v5 =	vperm.xlane v5, v3;
	v6 =	vadd.s32 v2, v6;
	_ =	sdelay $0x1  }
0xd9: {  	v5 =	vadd.s32 v2, v5;
	_ =	sdelay $0x2  }
0xda: {  	[tilespmem:s6], [sflag:$0x1] =	stream.indirect_vreg.gather [hbm4b:s1+s3], $0x80, v6, vm0, $0xb8;
	[tilespmem:$0xA080] =	vst v63  }
0xdb: {  	_ = 	snop  }
0xdc: {  	[tilespmem:s7], [sflag:$0x1] =	stream.indirect_vreg.gather [hbm4b:s1+s3], $0x80, v5, vm0, $0xb8;
	[tilespmem:$0xA080] =	vst v63  }
0xdd: {  	v5 =	vld [tilespmem:$0x70];
	_ =	sdelay $0x4  }
0xde: {  	v6 =	vshll.u32 v5, $0x1  }
0xdf: {  	v5 =	vand.u32 $0x7, v5;
	v6 =	vand.u32 $0xFFFFFFF0, v6  }
0xe0: {  	v5 =	vor.u32 v5, v6  }
0xe1: {  	v6 =	vperm.xlane v5, v1;
	_ =	sdelay $0x1  }
0xe2: {  	v5 =	vperm.xlane v5, v3;
	v6 =	vadd.s32 v2, v6;
	_ =	sdelay $0x1  }
0xe3: {  	v5 =	vadd.s32 v2, v5;
	_ =	sdelay $0x2  }
0xe4: {  	[tilespmem:s8], [sflag:$0x1] =	stream.indirect_vreg.gather [hbm4b:s1+s3], $0x80, v6, vm0, $0xb8;
	[tilespmem:$0xA080] =	vst v63  }
0xe5: {  	_ = 	snop  }
0xe6: {  	[tilespmem:s9], [sflag:$0x1] =	stream.indirect_vreg.gather [hbm4b:s1+s3], $0x80, v5, vm0, $0xb8;
	[tilespmem:$0xA080] =	vst v63  }
0xe7: {  	_ =	swait.ge [sflag:s10], $0x8000  }
0xe8: {  	[sflag:s10] =	ssyncset.done $0x0  }
0xe9: {  	s14 =	rddreg [dreg:$0x8];
	[sflag:s10] =	ssyncadd.s32 $0xFFFF8000  }
0xea: {  	[hbm4b:s14+s3] =	stream.linear.scatter [tilespmem:s23], [sflag:$0x2], $0x8000, $0x38;
	[tilespmem:$0xA080] =	vst v63  }
0xeb: {  	_ =	swait.ge [sflag:s22], $0x8000  }
0xec: {  	[sflag:s22] =	ssyncset.done $0x0  }
0xed: {  	[sflag:s22] =	ssyncadd.s32 $0xFFFF8000  }
0xee: {  	v5 =	vld [tilespmem:$0x0];
	_ =	sdelay $0x7  }
0xef: {  	[tilespmem:v5+s11+$0x0] =	vst.idx.add.f32.msk $0xffff, v4  }
0xf0: {  	v5 =	vld [tilespmem:$0x10];
	_ =	sdelay $0x7  }
0xf1: {  	[tilespmem:v5+s11+$0x0] =	vst.idx.add.f32.msk $0xffff, v4  }
0xf2: {  	v5 =	vld [tilespmem:$0x20];
	_ =	sdelay $0x7  }
0xf3: {  	[tilespmem:v5+s11+$0x0] =	vst.idx.add.f32.msk $0xffff, v4  }
0xf4: {  	v5 =	vld [tilespmem:$0x30];
	_ =	sdelay $0x7  }
0xf5: {  	[tilespmem:v5+s11+$0x0] =	vst.idx.add.f32.msk $0xffff, v4  }
0xf6: {  	v5 =	vld [tilespmem:$0x40];
	_ =	sdelay $0x7  }
0xf7: {  	[tilespmem:v5+s11+$0x0] =	vst.idx.add.f32.msk $0xffff, v4  }
0xf8: {  	v5 =	vld [tilespmem:$0x50];
	_ =	sdelay $0x7  }
0xf9: {  	[tilespmem:v5+s11+$0x0] =	vst.idx.add.f32.msk $0xffff, v4  }
0xfa: {  	v5 =	vld [tilespmem:$0x60];
	_ =	sdelay $0x7  }
0xfb: {  	[tilespmem:v5+s11+$0x0] =	vst.idx.add.f32.msk $0xffff, v4  }
0xfc: {  	v5 =	vld [tilespmem:$0x70];
	_ =	sdelay $0x7  }
0xfd: {  	s14 =	rddreg [dreg:$0x9];
	[tilespmem:v5+s11+$0x0] =	vst.idx.add.f32.msk $0xffff, v4  }
0xfe: {  	[tilespmem:s3], [sflag:$0x2] =	stream.linear.gather [hbm4b:s14+s3], $0x80, $0x38;
	[tilespmem:$0xA080] =	vst v63  }
0xff: {  	_ =	swait.ge [sflag:s22], $0x80  }
0x100: {  	[sflag:s22] =	ssyncset.done $0x0  }
0x101: {  	[sflag:s22] =	ssyncadd.s32 $0xFFFFFF80  }
0x102: {  	v5 =	vld [tilespmem:$0x0];
	_ =	sdelay $0x4  }
0x103: {  	v6 =	vshll.u32 v5, $0x1  }
0x104: {  	v5 =	vand.u32 $0x7, v5;
	v6 =	vand.u32 $0xFFFFFFF0, v6  }
0x105: {  	v5 =	vor.u32 v5, v6  }
0x106: {  	v6 =	vperm.xlane v5, v1;
	_ =	sdelay $0x1  }
0x107: {  	v5 =	vperm.xlane v5, v3;
	v6 =	vadd.s32 v2, v6;
	_ =	sdelay $0x1  }
0x108: {  	v5 =	vadd.s32 v2, v5;
	_ =	sdelay $0x2  }
0x109: {  	[tilespmem:s23], [sflag:$0x1] =	stream.indirect_vreg.gather [hbm4b:s1+s3], $0x80, v6, vm0, $0xb8;
	[tilespmem:$0xA080] =	vst v63  }
0x10a: {  	_ = 	snop  }
0x10b: {  	[tilespmem:s24], [sflag:$0x1] =	stream.indirect_vreg.gather [hbm4b:s1+s3], $0x80, v5, vm0, $0xb8;
	[tilespmem:$0xA080] =	vst v63  }
0x10c: {  	v5 =	vld [tilespmem:$0x10];
	_ =	sdelay $0x4  }
0x10d: {  	v6 =	vshll.u32 v5, $0x1  }
0x10e: {  	v5 =	vand.u32 $0x7, v5;
	v6 =	vand.u32 $0xFFFFFFF0, v6  }
0x10f: {  	v5 =	vor.u32 v5, v6  }
0x110: {  	v6 =	vperm.xlane v5, v1;
	_ =	sdelay $0x1  }
0x111: {  	v5 =	vperm.xlane v5, v3;
	v6 =	vadd.s32 v2, v6;
	_ =	sdelay $0x1  }
0x112: {  	v5 =	vadd.s32 v2, v5;
	_ =	sdelay $0x2  }
0x113: {  	[tilespmem:s25], [sflag:$0x1] =	stream.indirect_vreg.gather [hbm4b:s1+s3], $0x80, v6, vm0, $0xb8;
	[tilespmem:$0xA080] =	vst v63  }
0x114: {  	_ = 	snop  }
0x115: {  	[tilespmem:s26], [sflag:$0x1] =	stream.indirect_vreg.gather [hbm4b:s1+s3], $0x80, v5, vm0, $0xb8;
	[tilespmem:$0xA080] =	vst v63  }
0x116: {  	v5 =	vld [tilespmem:$0x20];
	_ =	sdelay $0x4  }
0x117: {  	v6 =	vshll.u32 v5, $0x1  }
0x118: {  	v5 =	vand.u32 $0x7, v5;
	v6 =	vand.u32 $0xFFFFFFF0, v6  }
0x119: {  	v5 =	vor.u32 v5, v6  }
0x11a: {  	v6 =	vperm.xlane v5, v1;
	_ =	sdelay $0x1  }
0x11b: {  	v5 =	vperm.xlane v5, v3;
	v6 =	vadd.s32 v2, v6;
	_ =	sdelay $0x1  }
0x11c: {  	v5 =	vadd.s32 v2, v5;
	_ =	sdelay $0x2  }
0x11d: {  	[tilespmem:s28], [sflag:$0x1] =	stream.indirect_vreg.gather [hbm4b:s1+s3], $0x80, v6, vm0, $0xb8;
	[tilespmem:$0xA080] =	vst v63  }
0x11e: {  	_ = 	snop  }
0x11f: {  	[tilespmem:s29], [sflag:$0x1] =	stream.indirect_vreg.gather [hbm4b:s1+s3], $0x80, v5, vm0, $0xb8;
	[tilespmem:$0xA080] =	vst v63  }
0x120: {  	v5 =	vld [tilespmem:$0x30];
	_ =	sdelay $0x4  }
0x121: {  	v6 =	vshll.u32 v5, $0x1  }
0x122: {  	v5 =	vand.u32 $0x7, v5;
	v6 =	vand.u32 $0xFFFFFFF0, v6  }
0x123: {  	v5 =	vor.u32 v5, v6  }
0x124: {  	v6 =	vperm.xlane v5, v1;
	_ =	sdelay $0x1  }
0x125: {  	v5 =	vperm.xlane v5, v3;
	v6 =	vadd.s32 v2, v6;
	_ =	sdelay $0x1  }
0x126: {  	v5 =	vadd.s32 v2, v5;
	_ =	sdelay $0x2  }
0x127: {  	[tilespmem:s30], [sflag:$0x1] =	stream.indirect_vreg.gather [hbm4b:s1+s3], $0x80, v6, vm0, $0xb8;
	[tilespmem:$0xA080] =	vst v63  }
0x128: {  	_ = 	snop  }
0x129: {  	[tilespmem:s31], [sflag:$0x1] =	stream.indirect_vreg.gather [hbm4b:s1+s3], $0x80, v5, vm0, $0xb8;
	[tilespmem:$0xA080] =	vst v63  }
0x12a: {  	v5 =	vld [tilespmem:$0x40];
	_ =	sdelay $0x4  }
0x12b: {  	v6 =	vshll.u32 v5, $0x1  }
0x12c: {  	v5 =	vand.u32 $0x7, v5;
	v6 =	vand.u32 $0xFFFFFFF0, v6  }
0x12d: {  	v5 =	vor.u32 v5, v6  }
0x12e: {  	v6 =	vperm.xlane v5, v1;
	_ =	sdelay $0x1  }
0x12f: {  	v5 =	vperm.xlane v5, v3;
	v6 =	vadd.s32 v2, v6;
	_ =	sdelay $0x1  }
0x130: {  	v5 =	vadd.s32 v2, v5;
	_ =	sdelay $0x2  }
0x131: {  	[tilespmem:s2], [sflag:$0x1] =	stream.indirect_vreg.gather [hbm4b:s1+s3], $0x80, v6, vm0, $0xb8;
	[tilespmem:$0xA080] =	vst v63  }
0x132: {  	_ = 	snop  }
0x133: {  	[tilespmem:s0], [sflag:$0x1] =	stream.indirect_vreg.gather [hbm4b:s1+s3], $0x80, v5, vm0, $0xb8;
	[tilespmem:$0xA080] =	vst v63  }
0x134: {  	v5 =	vld [tilespmem:$0x50];
	_ =	sdelay $0x4  }
0x135: {  	v6 =	vshll.u32 v5, $0x1  }
0x136: {  	v5 =	vand.u32 $0x7, v5;
	v6 =	vand.u32 $0xFFFFFFF0, v6  }
0x137: {  	v5 =	vor.u32 v5, v6  }
0x138: {  	v6 =	vperm.xlane v5, v1;
	_ =	sdelay $0x1  }
0x139: {  	v5 =	vperm.xlane v5, v3;
	v6 =	vadd.s32 v2, v6;
	_ =	sdelay $0x1  }
0x13a: {  	v5 =	vadd.s32 v2, v5;
	_ =	sdelay $0x2  }
0x13b: {  	[tilespmem:s4], [sflag:$0x1] =	stream.indirect_vreg.gather [hbm4b:s1+s3], $0x80, v6, vm0, $0xb8;
	[tilespmem:$0xA080] =	vst v63  }
0x13c: {  	_ = 	snop  }
0x13d: {  	[tilespmem:s5], [sflag:$0x1] =	stream.indirect_vreg.gather [hbm4b:s1+s3], $0x80, v5, vm0, $0xb8;
	[tilespmem:$0xA080] =	vst v63  }
0x13e: {  	v5 =	vld [tilespmem:$0x60];
	_ =	sdelay $0x4  }
0x13f: {  	v6 =	vshll.u32 v5, $0x1  }
0x140: {  	v5 =	vand.u32 $0x7, v5;
	v6 =	vand.u32 $0xFFFFFFF0, v6  }
0x141: {  	v5 =	vor.u32 v5, v6  }
0x142: {  	v6 =	vperm.xlane v5, v1;
	_ =	sdelay $0x1  }
0x143: {  	v5 =	vperm.xlane v5, v3;
	v6 =	vadd.s32 v2, v6;
	_ =	sdelay $0x1  }
0x144: {  	v5 =	vadd.s32 v2, v5;
	_ =	sdelay $0x2  }
0x145: {  	[tilespmem:s6], [sflag:$0x1] =	stream.indirect_vreg.gather [hbm4b:s1+s3], $0x80, v6, vm0, $0xb8;
	[tilespmem:$0xA080] =	vst v63  }
0x146: {  	_ = 	snop  }
0x147: {  	[tilespmem:s7], [sflag:$0x1] =	stream.indirect_vreg.gather [hbm4b:s1+s3], $0x80, v5, vm0, $0xb8;
	[tilespmem:$0xA080] =	vst v63  }
0x148: {  	v5 =	vld [tilespmem:$0x70];
	_ =	sdelay $0x4  }
0x149: {  	v6 =	vshll.u32 v5, $0x1  }
0x14a: {  	v5 =	vand.u32 $0x7, v5;
	v6 =	vand.u32 $0xFFFFFFF0, v6  }
0x14b: {  	v5 =	vor.u32 v5, v6  }
0x14c: {  	v6 =	vperm.xlane v5, v1;
	_ =	sdelay $0x1  }
0x14d: {  	v5 =	vperm.xlane v5, v3;
	v6 =	vadd.s32 v2, v6;
	_ =	sdelay $0x1  }
0x14e: {  	v5 =	vadd.s32 v2, v5;
	_ =	sdelay $0x2  }
0x14f: {  	[tilespmem:s8], [sflag:$0x1] =	stream.indirect_vreg.gather [hbm4b:s1+s3], $0x80, v6, vm0, $0xb8;
	[tilespmem:$0xA080] =	vst v63  }
0x150: {  	_ = 	snop  }
0x151: {  	[tilespmem:s9], [sflag:$0x1] =	stream.indirect_vreg.gather [hbm4b:s1+s3], $0x80, v5, vm0, $0xb8;
	[tilespmem:$0xA080] =	vst v63  }
0x152: {  	_ =	swait.ge [sflag:s10], $0x8000  }
0x153: {  	[sflag:s10] =	ssyncset.done $0x0  }
0x154: {  	s14 =	rddreg [dreg:$0xa];
	[sflag:s10] =	ssyncadd.s32 $0xFFFF8000  }
0x155: {  	[hbm4b:s14+s3] =	stream.linear.scatter [tilespmem:s23], [sflag:$0x2], $0x8000, $0x38;
	[tilespmem:$0xA080] =	vst v63  }
0x156: {  	_ =	swait.ge [sflag:s22], $0x8000  }
0x157: {  	[sflag:s22] =	ssyncset.done $0x0  }
0x158: {  	[sflag:s22] =	ssyncadd.s32 $0xFFFF8000  }
0x159: {  	v5 =	vld [tilespmem:$0x0];
	_ =	sdelay $0x7  }
0x15a: {  	[tilespmem:v5+s11+$0x0] =	vst.idx.add.f32.msk $0xffff, v4  }
0x15b: {  	v5 =	vld [tilespmem:$0x10];
	_ =	sdelay $0x7  }
0x15c: {  	[tilespmem:v5+s11+$0x0] =	vst.idx.add.f32.msk $0xffff, v4  }
0x15d: {  	v5 =	vld [tilespmem:$0x20];
	_ =	sdelay $0x7  }
0x15e: {  	[tilespmem:v5+s11+$0x0] =	vst.idx.add.f32.msk $0xffff, v4  }
0x15f: {  	v5 =	vld [tilespmem:$0x30];
	_ =	sdelay $0x7  }
0x160: {  	[tilespmem:v5+s11+$0x0] =	vst.idx.add.f32.msk $0xffff, v4  }
0x161: {  	v5 =	vld [tilespmem:$0x40];
	_ =	sdelay $0x7  }
0x162: {  	[tilespmem:v5+s11+$0x0] =	vst.idx.add.f32.msk $0xffff, v4  }
0x163: {  	v5 =	vld [tilespmem:$0x50];
	_ =	sdelay $0x7  }
0x164: {  	[tilespmem:v5+s11+$0x0] =	vst.idx.add.f32.msk $0xffff, v4  }
0x165: {  	v5 =	vld [tilespmem:$0x60];
	_ =	sdelay $0x7  }
0x166: {  	[tilespmem:v5+s11+$0x0] =	vst.idx.add.f32.msk $0xffff, v4  }
0x167: {  	v5 =	vld [tilespmem:$0x70];
	_ =	sdelay $0x7  }
0x168: {  	s14 =	rddreg [dreg:$0xb];
	[tilespmem:v5+s11+$0x0] =	vst.idx.add.f32.msk $0xffff, v4  }
0x169: {  	[tilespmem:s3], [sflag:$0x2] =	stream.linear.gather [hbm4b:s14+s3], $0x80, $0x38;
	[tilespmem:$0xA080] =	vst v63  }
0x16a: {  	_ =	swait.ge [sflag:s22], $0x80  }
0x16b: {  	[sflag:s22] =	ssyncset.done $0x0  }
0x16c: {  	[sflag:s22] =	ssyncadd.s32 $0xFFFFFF80  }
0x16d: {  	v5 =	vld [tilespmem:$0x0];
	_ =	sdelay $0x4  }
0x16e: {  	v6 =	vshll.u32 v5, $0x1  }
0x16f: {  	v5 =	vand.u32 $0x7, v5;
	v6 =	vand.u32 $0xFFFFFFF0, v6  }
0x170: {  	v5 =	vor.u32 v5, v6  }
0x171: {  	v6 =	vperm.xlane v5, v1;
	_ =	sdelay $0x1  }
0x172: {  	v5 =	vperm.xlane v5, v3;
	v6 =	vadd.s32 v2, v6;
	_ =	sdelay $0x1  }
0x173: {  	v5 =	vadd.s32 v2, v5;
	_ =	sdelay $0x2  }
0x174: {  	[tilespmem:s23], [sflag:$0x1] =	stream.indirect_vreg.gather [hbm4b:s1+s3], $0x80, v6, vm0, $0xb8;
	[tilespmem:$0xA080] =	vst v63  }
0x175: {  	_ = 	snop  }
0x176: {  	[tilespmem:s24], [sflag:$0x1] =	stream.indirect_vreg.gather [hbm4b:s1+s3], $0x80, v5, vm0, $0xb8;
	[tilespmem:$0xA080] =	vst v63  }
0x177: {  	v5 =	vld [tilespmem:$0x10];
	_ =	sdelay $0x4  }
0x178: {  	v6 =	vshll.u32 v5, $0x1  }
0x179: {  	v5 =	vand.u32 $0x7, v5;
	v6 =	vand.u32 $0xFFFFFFF0, v6  }
0x17a: {  	v5 =	vor.u32 v5, v6  }
0x17b: {  	v6 =	vperm.xlane v5, v1;
	_ =	sdelay $0x1  }
0x17c: {  	v5 =	vperm.xlane v5, v3;
	v6 =	vadd.s32 v2, v6;
	_ =	sdelay $0x1  }
0x17d: {  	v5 =	vadd.s32 v2, v5;
	_ =	sdelay $0x2  }
0x17e: {  	[tilespmem:s25], [sflag:$0x1] =	stream.indirect_vreg.gather [hbm4b:s1+s3], $0x80, v6, vm0, $0xb8;
	[tilespmem:$0xA080] =	vst v63  }
0x17f: {  	_ = 	snop  }
0x180: {  	[tilespmem:s26], [sflag:$0x1] =	stream.indirect_vreg.gather [hbm4b:s1+s3], $0x80, v5, vm0, $0xb8;
	[tilespmem:$0xA080] =	vst v63  }
0x181: {  	v5 =	vld [tilespmem:$0x20];
	_ =	sdelay $0x4  }
0x182: {  	v6 =	vshll.u32 v5, $0x1  }
0x183: {  	v5 =	vand.u32 $0x7, v5;
	v6 =	vand.u32 $0xFFFFFFF0, v6  }
0x184: {  	v5 =	vor.u32 v5, v6  }
0x185: {  	v6 =	vperm.xlane v5, v1;
	_ =	sdelay $0x1  }
0x186: {  	v5 =	vperm.xlane v5, v3;
	v6 =	vadd.s32 v2, v6;
	_ =	sdelay $0x1  }
0x187: {  	v5 =	vadd.s32 v2, v5;
	_ =	sdelay $0x2  }
0x188: {  	[tilespmem:s28], [sflag:$0x1] =	stream.indirect_vreg.gather [hbm4b:s1+s3], $0x80, v6, vm0, $0xb8;
	[tilespmem:$0xA080] =	vst v63  }
0x189: {  	_ = 	snop  }
0x18a: {  	[tilespmem:s29], [sflag:$0x1] =	stream.indirect_vreg.gather [hbm4b:s1+s3], $0x80, v5, vm0, $0xb8;
	[tilespmem:$0xA080] =	vst v63  }
0x18b: {  	v5 =	vld [tilespmem:$0x30];
	_ =	sdelay $0x4  }
0x18c: {  	v6 =	vshll.u32 v5, $0x1  }
0x18d: {  	v5 =	vand.u32 $0x7, v5;
	v6 =	vand.u32 $0xFFFFFFF0, v6  }
0x18e: {  	v5 =	vor.u32 v5, v6  }
0x18f: {  	v6 =	vperm.xlane v5, v1;
	_ =	sdelay $0x1  }
0x190: {  	v5 =	vperm.xlane v5, v3;
	v6 =	vadd.s32 v2, v6;
	_ =	sdelay $0x1  }
0x191: {  	v5 =	vadd.s32 v2, v5;
	_ =	sdelay $0x2  }
0x192: {  	[tilespmem:s30], [sflag:$0x1] =	stream.indirect_vreg.gather [hbm4b:s1+s3], $0x80, v6, vm0, $0xb8;
	[tilespmem:$0xA080] =	vst v63  }
0x193: {  	_ = 	snop  }
0x194: {  	[tilespmem:s31], [sflag:$0x1] =	stream.indirect_vreg.gather [hbm4b:s1+s3], $0x80, v5, vm0, $0xb8;
	[tilespmem:$0xA080] =	vst v63  }
0x195: {  	v5 =	vld [tilespmem:$0x40];
	_ =	sdelay $0x4  }
0x196: {  	v6 =	vshll.u32 v5, $0x1  }
0x197: {  	v5 =	vand.u32 $0x7, v5;
	v6 =	vand.u32 $0xFFFFFFF0, v6  }
0x198: {  	v5 =	vor.u32 v5, v6  }
0x199: {  	v6 =	vperm.xlane v5, v1;
	_ =	sdelay $0x1  }
0x19a: {  	v5 =	vperm.xlane v5, v3;
	v6 =	vadd.s32 v2, v6;
	_ =	sdelay $0x1  }
0x19b: {  	v5 =	vadd.s32 v2, v5;
	_ =	sdelay $0x2  }
0x19c: {  	[tilespmem:s2], [sflag:$0x1] =	stream.indirect_vreg.gather [hbm4b:s1+s3], $0x80, v6, vm0, $0xb8;
	[tilespmem:$0xA080] =	vst v63  }
0x19d: {  	_ = 	snop  }
0x19e: {  	[tilespmem:s0], [sflag:$0x1] =	stream.indirect_vreg.gather [hbm4b:s1+s3], $0x80, v5, vm0, $0xb8;
	[tilespmem:$0xA080] =	vst v63  }
0x19f: {  	v5 =	vld [tilespmem:$0x50];
	_ =	sdelay $0x4  }
0x1a0: {  	v6 =	vshll.u32 v5, $0x1  }
0x1a1: {  	v5 =	vand.u32 $0x7, v5;
	v6 =	vand.u32 $0xFFFFFFF0, v6  }
0x1a2: {  	v5 =	vor.u32 v5, v6  }
0x1a3: {  	v6 =	vperm.xlane v5, v1;
	_ =	sdelay $0x1  }
0x1a4: {  	v5 =	vperm.xlane v5, v3;
	v6 =	vadd.s32 v2, v6;
	_ =	sdelay $0x1  }
0x1a5: {  	v5 =	vadd.s32 v2, v5;
	_ =	sdelay $0x2  }
0x1a6: {  	[tilespmem:s4], [sflag:$0x1] =	stream.indirect_vreg.gather [hbm4b:s1+s3], $0x80, v6, vm0, $0xb8;
	[tilespmem:$0xA080] =	vst v63  }
0x1a7: {  	_ = 	snop  }
0x1a8: {  	[tilespmem:s5], [sflag:$0x1] =	stream.indirect_vreg.gather [hbm4b:s1+s3], $0x80, v5, vm0, $0xb8;
	[tilespmem:$0xA080] =	vst v63  }
0x1a9: {  	v5 =	vld [tilespmem:$0x60];
	_ =	sdelay $0x4  }
0x1aa: {  	v6 =	vshll.u32 v5, $0x1  }
0x1ab: {  	v5 =	vand.u32 $0x7, v5;
	v6 =	vand.u32 $0xFFFFFFF0, v6  }
0x1ac: {  	v5 =	vor.u32 v5, v6  }
0x1ad: {  	v6 =	vperm.xlane v5, v1;
	_ =	sdelay $0x1  }
0x1ae: {  	v5 =	vperm.xlane v5, v3;
	v6 =	vadd.s32 v2, v6;
	_ =	sdelay $0x1  }
0x1af: {  	v5 =	vadd.s32 v2, v5;
	_ =	sdelay $0x2  }
0x1b0: {  	[tilespmem:s6], [sflag:$0x1] =	stream.indirect_vreg.gather [hbm4b:s1+s3], $0x80, v6, vm0, $0xb8;
	[tilespmem:$0xA080] =	vst v63  }
0x1b1: {  	_ = 	snop  }
0x1b2: {  	[tilespmem:s7], [sflag:$0x1] =	stream.indirect_vreg.gather [hbm4b:s1+s3], $0x80, v5, vm0, $0xb8;
	[tilespmem:$0xA080] =	vst v63  }
0x1b3: {  	v5 =	vld [tilespmem:$0x70];
	_ =	sdelay $0x4  }
0x1b4: {  	v6 =	vshll.u32 v5, $0x1  }
0x1b5: {  	v5 =	vand.u32 $0x7, v5;
	v6 =	vand.u32 $0xFFFFFFF0, v6  }
0x1b6: {  	v5 =	vor.u32 v5, v6  }
0x1b7: {  	v6 =	vperm.xlane v5, v1;
	_ =	sdelay $0x1  }
0x1b8: {  	v5 =	vperm.xlane v5, v3;
	v6 =	vadd.s32 v2, v6;
	_ =	sdelay $0x1  }
0x1b9: {  	v5 =	vadd.s32 v2, v5;
	_ =	sdelay $0x2  }
0x1ba: {  	[tilespmem:s8], [sflag:$0x1] =	stream.indirect_vreg.gather [hbm4b:s1+s3], $0x80, v6, vm0, $0xb8;
	[tilespmem:$0xA080] =	vst v63  }
0x1bb: {  	_ = 	snop  }
0x1bc: {  	[tilespmem:s9], [sflag:$0x1] =	stream.indirect_vreg.gather [hbm4b:s1+s3], $0x80, v5, vm0, $0xb8;
	[tilespmem:$0xA080] =	vst v63  }
0x1bd: {  	_ =	swait.ge [sflag:s10], $0x8000  }
0x1be: {  	[sflag:s10] =	ssyncset.done $0x0  }
0x1bf: {  	s14 =	rddreg [dreg:$0xc];
	[sflag:s10] =	ssyncadd.s32 $0xFFFF8000  }
0x1c0: {  	[hbm4b:s14+s3] =	stream.linear.scatter [tilespmem:s23], [sflag:$0x2], $0x8000, $0x38;
	[tilespmem:$0xA080] =	vst v63  }
0x1c1: {  	_ =	swait.ge [sflag:s22], $0x8000  }
0x1c2: {  	[sflag:s22] =	ssyncset.done $0x0  }
0x1c3: {  	[sflag:s22] =	ssyncadd.s32 $0xFFFF8000  }
0x1c4: {  	v5 =	vld [tilespmem:$0x0];
	_ =	sdelay $0x7  }
0x1c5: {  	[tilespmem:v5+s11+$0x0] =	vst.idx.add.f32.msk $0xffff, v4  }
0x1c6: {  	v5 =	vld [tilespmem:$0x10];
	_ =	sdelay $0x7  }
0x1c7: {  	[tilespmem:v5+s11+$0x0] =	vst.idx.add.f32.msk $0xffff, v4  }
0x1c8: {  	v5 =	vld [tilespmem:$0x20];
	_ =	sdelay $0x7  }
0x1c9: {  	[tilespmem:v5+s11+$0x0] =	vst.idx.add.f32.msk $0xffff, v4  }
0x1ca: {  	v5 =	vld [tilespmem:$0x30];
	_ =	sdelay $0x7  }
0x1cb: {  	[tilespmem:v5+s11+$0x0] =	vst.idx.add.f32.msk $0xffff, v4  }
0x1cc: {  	v5 =	vld [tilespmem:$0x40];
	_ =	sdelay $0x7  }
0x1cd: {  	[tilespmem:v5+s11+$0x0] =	vst.idx.add.f32.msk $0xffff, v4  }
0x1ce: {  	v5 =	vld [tilespmem:$0x50];
	_ =	sdelay $0x7  }
0x1cf: {  	[tilespmem:v5+s11+$0x0] =	vst.idx.add.f32.msk $0xffff, v4  }
0x1d0: {  	v5 =	vld [tilespmem:$0x60];
	_ =	sdelay $0x7  }
0x1d1: {  	[tilespmem:v5+s11+$0x0] =	vst.idx.add.f32.msk $0xffff, v4  }
0x1d2: {  	v5 =	vld [tilespmem:$0x70];
	_ =	sdelay $0x7  }
0x1d3: {  	s14 =	rddreg [dreg:$0xd];
	[tilespmem:v5+s11+$0x0] =	vst.idx.add.f32.msk $0xffff, v4  }
0x1d4: {  	[tilespmem:s3], [sflag:$0x2] =	stream.linear.gather [hbm4b:s14+s3], $0x80, $0x38;
	[tilespmem:$0xA080] =	vst v63  }
0x1d5: {  	_ =	swait.ge [sflag:s22], $0x80  }
0x1d6: {  	[sflag:s22] =	ssyncset.done $0x0  }
0x1d7: {  	[sflag:s22] =	ssyncadd.s32 $0xFFFFFF80  }
0x1d8: {  	v5 =	vld [tilespmem:$0x0];
	_ =	sdelay $0x4  }
0x1d9: {  	v6 =	vshll.u32 v5, $0x1  }
0x1da: {  	v5 =	vand.u32 $0x7, v5;
	v6 =	vand.u32 $0xFFFFFFF0, v6  }
0x1db: {  	v5 =	vor.u32 v5, v6  }
0x1dc: {  	v6 =	vperm.xlane v5, v1;
	_ =	sdelay $0x1  }
0x1dd: {  	v5 =	vperm.xlane v5, v3;
	v6 =	vadd.s32 v2, v6;
	_ =	sdelay $0x1  }
0x1de: {  	v5 =	vadd.s32 v2, v5;
	_ =	sdelay $0x2  }
0x1df: {  	[tilespmem:s23], [sflag:$0x1] =	stream.indirect_vreg.gather [hbm4b:s1+s3], $0x80, v6, vm0, $0xb8;
	[tilespmem:$0xA080] =	vst v63  }
0x1e0: {  	_ = 	snop  }
0x1e1: {  	[tilespmem:s24], [sflag:$0x1] =	stream.indirect_vreg.gather [hbm4b:s1+s3], $0x80, v5, vm0, $0xb8;
	[tilespmem:$0xA080] =	vst v63  }
0x1e2: {  	v5 =	vld [tilespmem:$0x10];
	_ =	sdelay $0x4  }
0x1e3: {  	v6 =	vshll.u32 v5, $0x1  }
0x1e4: {  	v5 =	vand.u32 $0x7, v5;
	v6 =	vand.u32 $0xFFFFFFF0, v6  }
0x1e5: {  	v5 =	vor.u32 v5, v6  }
0x1e6: {  	v6 =	vperm.xlane v5, v1;
	_ =	sdelay $0x1  }
0x1e7: {  	v5 =	vperm.xlane v5, v3;
	v6 =	vadd.s32 v2, v6;
	_ =	sdelay $0x1  }
0x1e8: {  	v5 =	vadd.s32 v2, v5;
	_ =	sdelay $0x2  }
0x1e9: {  	[tilespmem:s25], [sflag:$0x1] =	stream.indirect_vreg.gather [hbm4b:s1+s3], $0x80, v6, vm0, $0xb8;
	[tilespmem:$0xA080] =	vst v63  }
0x1ea: {  	_ = 	snop  }
0x1eb: {  	[tilespmem:s26], [sflag:$0x1] =	stream.indirect_vreg.gather [hbm4b:s1+s3], $0x80, v5, vm0, $0xb8;
	[tilespmem:$0xA080] =	vst v63  }
0x1ec: {  	v5 =	vld [tilespmem:$0x20];
	_ =	sdelay $0x4  }
0x1ed: {  	v6 =	vshll.u32 v5, $0x1  }
0x1ee: {  	v5 =	vand.u32 $0x7, v5;
	v6 =	vand.u32 $0xFFFFFFF0, v6  }
0x1ef: {  	v5 =	vor.u32 v5, v6  }
0x1f0: {  	v6 =	vperm.xlane v5, v1;
	_ =	sdelay $0x1  }
0x1f1: {  	v5 =	vperm.xlane v5, v3;
	v6 =	vadd.s32 v2, v6;
	_ =	sdelay $0x1  }
0x1f2: {  	v5 =	vadd.s32 v2, v5;
	_ =	sdelay $0x2  }
0x1f3: {  	[tilespmem:s28], [sflag:$0x1] =	stream.indirect_vreg.gather [hbm4b:s1+s3], $0x80, v6, vm0, $0xb8;
	[tilespmem:$0xA080] =	vst v63  }
0x1f4: {  	_ = 	snop  }
0x1f5: {  	[tilespmem:s29], [sflag:$0x1] =	stream.indirect_vreg.gather [hbm4b:s1+s3], $0x80, v5, vm0, $0xb8;
	[tilespmem:$0xA080] =	vst v63  }
0x1f6: {  	v5 =	vld [tilespmem:$0x30];
	_ =	sdelay $0x4  }
0x1f7: {  	v6 =	vshll.u32 v5, $0x1  }
0x1f8: {  	v5 =	vand.u32 $0x7, v5;
	v6 =	vand.u32 $0xFFFFFFF0, v6  }
0x1f9: {  	v5 =	vor.u32 v5, v6  }
0x1fa: {  	v6 =	vperm.xlane v5, v1;
	_ =	sdelay $0x1  }
0x1fb: {  	v5 =	vperm.xlane v5, v3;
	v6 =	vadd.s32 v2, v6;
	_ =	sdelay $0x1  }
0x1fc: {  	v5 =	vadd.s32 v2, v5;
	_ =	sdelay $0x2  }
0x1fd: {  	[tilespmem:s30], [sflag:$0x1] =	stream.indirect_vreg.gather [hbm4b:s1+s3], $0x80, v6, vm0, $0xb8;
	[tilespmem:$0xA080] =	vst v63  }
0x1fe: {  	_ = 	snop  }
0x1ff: {  	[tilespmem:s31], [sflag:$0x1] =	stream.indirect_vreg.gather [hbm4b:s1+s3], $0x80, v5, vm0, $0xb8;
	[tilespmem:$0xA080] =	vst v63  }
0x200: {  	v5 =	vld [tilespmem:$0x40];
	_ =	sdelay $0x4  }
0x201: {  	v6 =	vshll.u32 v5, $0x1  }
0x202: {  	v5 =	vand.u32 $0x7, v5;
	v6 =	vand.u32 $0xFFFFFFF0, v6  }
0x203: {  	v5 =	vor.u32 v5, v6  }
0x204: {  	v6 =	vperm.xlane v5, v1;
	_ =	sdelay $0x1  }
0x205: {  	v5 =	vperm.xlane v5, v3;
	v6 =	vadd.s32 v2, v6;
	_ =	sdelay $0x1  }
0x206: {  	v5 =	vadd.s32 v2, v5;
	_ =	sdelay $0x2  }
0x207: {  	[tilespmem:s2], [sflag:$0x1] =	stream.indirect_vreg.gather [hbm4b:s1+s3], $0x80, v6, vm0, $0xb8;
	[tilespmem:$0xA080] =	vst v63  }
0x208: {  	_ = 	snop  }
0x209: {  	[tilespmem:s0], [sflag:$0x1] =	stream.indirect_vreg.gather [hbm4b:s1+s3], $0x80, v5, vm0, $0xb8;
	[tilespmem:$0xA080] =	vst v63  }
0x20a: {  	v5 =	vld [tilespmem:$0x50];
	_ =	sdelay $0x4  }
0x20b: {  	v6 =	vshll.u32 v5, $0x1  }
0x20c: {  	v5 =	vand.u32 $0x7, v5;
	v6 =	vand.u32 $0xFFFFFFF0, v6  }
0x20d: {  	v5 =	vor.u32 v5, v6  }
0x20e: {  	v6 =	vperm.xlane v5, v1;
	_ =	sdelay $0x1  }
0x20f: {  	v5 =	vperm.xlane v5, v3;
	v6 =	vadd.s32 v2, v6;
	_ =	sdelay $0x1  }
0x210: {  	v5 =	vadd.s32 v2, v5;
	_ =	sdelay $0x2  }
0x211: {  	[tilespmem:s4], [sflag:$0x1] =	stream.indirect_vreg.gather [hbm4b:s1+s3], $0x80, v6, vm0, $0xb8;
	[tilespmem:$0xA080] =	vst v63  }
0x212: {  	_ = 	snop  }
0x213: {  	[tilespmem:s5], [sflag:$0x1] =	stream.indirect_vreg.gather [hbm4b:s1+s3], $0x80, v5, vm0, $0xb8;
	[tilespmem:$0xA080] =	vst v63  }
0x214: {  	v5 =	vld [tilespmem:$0x60];
	_ =	sdelay $0x4  }
0x215: {  	v6 =	vshll.u32 v5, $0x1  }
0x216: {  	v5 =	vand.u32 $0x7, v5;
	v6 =	vand.u32 $0xFFFFFFF0, v6  }
0x217: {  	v5 =	vor.u32 v5, v6  }
0x218: {  	v6 =	vperm.xlane v5, v1;
	_ =	sdelay $0x1  }
0x219: {  	v5 =	vperm.xlane v5, v3;
	v6 =	vadd.s32 v2, v6;
	_ =	sdelay $0x1  }
0x21a: {  	v5 =	vadd.s32 v2, v5;
	_ =	sdelay $0x2  }
0x21b: {  	[tilespmem:s6], [sflag:$0x1] =	stream.indirect_vreg.gather [hbm4b:s1+s3], $0x80, v6, vm0, $0xb8;
	[tilespmem:$0xA080] =	vst v63  }
0x21c: {  	_ = 	snop  }
0x21d: {  	[tilespmem:s7], [sflag:$0x1] =	stream.indirect_vreg.gather [hbm4b:s1+s3], $0x80, v5, vm0, $0xb8;
	[tilespmem:$0xA080] =	vst v63  }
0x21e: {  	v5 =	vld [tilespmem:$0x70];
	_ =	sdelay $0x4  }
0x21f: {  	v6 =	vshll.u32 v5, $0x1  }
0x220: {  	v5 =	vand.u32 $0x7, v5;
	v6 =	vand.u32 $0xFFFFFFF0, v6  }
0x221: {  	v5 =	vor.u32 v5, v6  }
0x222: {  	v6 =	vperm.xlane v5, v1;
	_ =	sdelay $0x1  }
0x223: {  	v5 =	vperm.xlane v5, v3;
	v6 =	vadd.s32 v2, v6;
	_ =	sdelay $0x1  }
0x224: {  	v5 =	vadd.s32 v2, v5;
	_ =	sdelay $0x2  }
0x225: {  	[tilespmem:s8], [sflag:$0x1] =	stream.indirect_vreg.gather [hbm4b:s1+s3], $0x80, v6, vm0, $0xb8;
	[tilespmem:$0xA080] =	vst v63  }
0x226: {  	_ = 	snop  }
0x227: {  	[tilespmem:s9], [sflag:$0x1] =	stream.indirect_vreg.gather [hbm4b:s1+s3], $0x80, v5, vm0, $0xb8;
	[tilespmem:$0xA080] =	vst v63  }
0x228: {  	_ =	swait.ge [sflag:s10], $0x8000  }
0x229: {  	[sflag:s10] =	ssyncset.done $0x0  }
0x22a: {  	s14 =	rddreg [dreg:$0xe];
	[sflag:s10] =	ssyncadd.s32 $0xFFFF8000  }
0x22b: {  	[hbm4b:s14+s3] =	stream.linear.scatter [tilespmem:s23], [sflag:$0x2], $0x8000, $0x38;
	[tilespmem:$0xA080] =	vst v63  }
0x22c: {  	_ =	swait.ge [sflag:s22], $0x8000  }
0x22d: {  	[sflag:s22] =	ssyncset.done $0x0  }
0x22e: {  	[sflag:s22] =	ssyncadd.s32 $0xFFFF8000  }
0x22f: {  	v5 =	vld [tilespmem:$0x0];
	_ =	sdelay $0x7  }
0x230: {  	[tilespmem:v5+s11+$0x0] =	vst.idx.add.f32.msk $0xffff, v4  }
0x231: {  	v5 =	vld [tilespmem:$0x10];
	_ =	sdelay $0x7  }
0x232: {  	[tilespmem:v5+s11+$0x0] =	vst.idx.add.f32.msk $0xffff, v4  }
0x233: {  	v5 =	vld [tilespmem:$0x20];
	_ =	sdelay $0x7  }
0x234: {  	[tilespmem:v5+s11+$0x0] =	vst.idx.add.f32.msk $0xffff, v4  }
0x235: {  	v5 =	vld [tilespmem:$0x30];
	_ =	sdelay $0x7  }
0x236: {  	[tilespmem:v5+s11+$0x0] =	vst.idx.add.f32.msk $0xffff, v4  }
0x237: {  	v5 =	vld [tilespmem:$0x40];
	_ =	sdelay $0x7  }
0x238: {  	[tilespmem:v5+s11+$0x0] =	vst.idx.add.f32.msk $0xffff, v4  }
0x239: {  	v5 =	vld [tilespmem:$0x50];
	_ =	sdelay $0x7  }
0x23a: {  	[tilespmem:v5+s11+$0x0] =	vst.idx.add.f32.msk $0xffff, v4  }
0x23b: {  	v5 =	vld [tilespmem:$0x60];
	_ =	sdelay $0x7  }
0x23c: {  	[tilespmem:v5+s11+$0x0] =	vst.idx.add.f32.msk $0xffff, v4  }
0x23d: {  	v5 =	vld [tilespmem:$0x70];
	_ =	sdelay $0x7  }
0x23e: {  	s14 =	rddreg [dreg:$0xf];
	[tilespmem:v5+s11+$0x0] =	vst.idx.add.f32.msk $0xffff, v4  }
0x23f: {  	[tilespmem:s3], [sflag:$0x2] =	stream.linear.gather [hbm4b:s14+s3], $0x80, $0x38;
	[tilespmem:$0xA080] =	vst v63  }
0x240: {  	_ =	swait.ge [sflag:s22], $0x80  }
0x241: {  	[sflag:s22] =	ssyncset.done $0x0  }
0x242: {  	[sflag:s22] =	ssyncadd.s32 $0xFFFFFF80  }
0x243: {  	v5 =	vld [tilespmem:$0x0];
	_ =	sdelay $0x4  }
0x244: {  	v6 =	vshll.u32 v5, $0x1  }
0x245: {  	v5 =	vand.u32 $0x7, v5;
	v6 =	vand.u32 $0xFFFFFFF0, v6  }
0x246: {  	v5 =	vor.u32 v5, v6  }
0x247: {  	v6 =	vperm.xlane v5, v1;
	_ =	sdelay $0x1  }
0x248: {  	v5 =	vperm.xlane v5, v3;
	v6 =	vadd.s32 v2, v6;
	_ =	sdelay $0x1  }
0x249: {  	v5 =	vadd.s32 v2, v5;
	_ =	sdelay $0x2  }
0x24a: {  	[tilespmem:s23], [sflag:$0x1] =	stream.indirect_vreg.gather [hbm4b:s1+s3], $0x80, v6, vm0, $0xb8;
	[tilespmem:$0xA080] =	vst v63  }
0x24b: {  	_ = 	snop  }
0x24c: {  	[tilespmem:s24], [sflag:$0x1] =	stream.indirect_vreg.gather [hbm4b:s1+s3], $0x80, v5, vm0, $0xb8;
	[tilespmem:$0xA080] =	vst v63  }
0x24d: {  	v5 =	vld [tilespmem:$0x10];
	_ =	sdelay $0x4  }
0x24e: {  	v6 =	vshll.u32 v5, $0x1  }
0x24f: {  	v5 =	vand.u32 $0x7, v5;
	v6 =	vand.u32 $0xFFFFFFF0, v6  }
0x250: {  	v5 =	vor.u32 v5, v6  }
0x251: {  	v6 =	vperm.xlane v5, v1;
	_ =	sdelay $0x1  }
0x252: {  	v5 =	vperm.xlane v5, v3;
	v6 =	vadd.s32 v2, v6;
	_ =	sdelay $0x1  }
0x253: {  	v5 =	vadd.s32 v2, v5;
	_ =	sdelay $0x2  }
0x254: {  	[tilespmem:s25], [sflag:$0x1] =	stream.indirect_vreg.gather [hbm4b:s1+s3], $0x80, v6, vm0, $0xb8;
	[tilespmem:$0xA080] =	vst v63  }
0x255: {  	_ = 	snop  }
0x256: {  	[tilespmem:s26], [sflag:$0x1] =	stream.indirect_vreg.gather [hbm4b:s1+s3], $0x80, v5, vm0, $0xb8;
	[tilespmem:$0xA080] =	vst v63  }
0x257: {  	v5 =	vld [tilespmem:$0x20];
	_ =	sdelay $0x4  }
0x258: {  	v6 =	vshll.u32 v5, $0x1  }
0x259: {  	v5 =	vand.u32 $0x7, v5;
	v6 =	vand.u32 $0xFFFFFFF0, v6  }
0x25a: {  	v5 =	vor.u32 v5, v6  }
0x25b: {  	v6 =	vperm.xlane v5, v1;
	_ =	sdelay $0x1  }
0x25c: {  	v5 =	vperm.xlane v5, v3;
	v6 =	vadd.s32 v2, v6;
	_ =	sdelay $0x1  }
0x25d: {  	v5 =	vadd.s32 v2, v5;
	_ =	sdelay $0x2  }
0x25e: {  	[tilespmem:s28], [sflag:$0x1] =	stream.indirect_vreg.gather [hbm4b:s1+s3], $0x80, v6, vm0, $0xb8;
	[tilespmem:$0xA080] =	vst v63  }
0x25f: {  	_ = 	snop  }
0x260: {  	[tilespmem:s29], [sflag:$0x1] =	stream.indirect_vreg.gather [hbm4b:s1+s3], $0x80, v5, vm0, $0xb8;
	[tilespmem:$0xA080] =	vst v63  }
0x261: {  	v5 =	vld [tilespmem:$0x30];
	_ =	sdelay $0x4  }
0x262: {  	v6 =	vshll.u32 v5, $0x1  }
0x263: {  	v5 =	vand.u32 $0x7, v5;
	v6 =	vand.u32 $0xFFFFFFF0, v6  }
0x264: {  	v5 =	vor.u32 v5, v6  }
0x265: {  	v6 =	vperm.xlane v5, v1;
	_ =	sdelay $0x1  }
0x266: {  	v5 =	vperm.xlane v5, v3;
	v6 =	vadd.s32 v2, v6;
	_ =	sdelay $0x1  }
0x267: {  	v5 =	vadd.s32 v2, v5;
	_ =	sdelay $0x2  }
0x268: {  	[tilespmem:s30], [sflag:$0x1] =	stream.indirect_vreg.gather [hbm4b:s1+s3], $0x80, v6, vm0, $0xb8;
	[tilespmem:$0xA080] =	vst v63  }
0x269: {  	_ = 	snop  }
0x26a: {  	[tilespmem:s31], [sflag:$0x1] =	stream.indirect_vreg.gather [hbm4b:s1+s3], $0x80, v5, vm0, $0xb8;
	[tilespmem:$0xA080] =	vst v63  }
0x26b: {  	v5 =	vld [tilespmem:$0x40];
	_ =	sdelay $0x4  }
0x26c: {  	v6 =	vshll.u32 v5, $0x1  }
0x26d: {  	v5 =	vand.u32 $0x7, v5;
	v6 =	vand.u32 $0xFFFFFFF0, v6  }
0x26e: {  	v5 =	vor.u32 v5, v6  }
0x26f: {  	v6 =	vperm.xlane v5, v1;
	_ =	sdelay $0x1  }
0x270: {  	v5 =	vperm.xlane v5, v3;
	v6 =	vadd.s32 v2, v6;
	_ =	sdelay $0x1  }
0x271: {  	v5 =	vadd.s32 v2, v5;
	_ =	sdelay $0x2  }
0x272: {  	[tilespmem:s2], [sflag:$0x1] =	stream.indirect_vreg.gather [hbm4b:s1+s3], $0x80, v6, vm0, $0xb8;
	[tilespmem:$0xA080] =	vst v63  }
0x273: {  	_ = 	snop  }
0x274: {  	[tilespmem:s0], [sflag:$0x1] =	stream.indirect_vreg.gather [hbm4b:s1+s3], $0x80, v5, vm0, $0xb8;
	[tilespmem:$0xA080] =	vst v63  }
0x275: {  	v5 =	vld [tilespmem:$0x50];
	_ =	sdelay $0x4  }
0x276: {  	v6 =	vshll.u32 v5, $0x1  }
0x277: {  	v5 =	vand.u32 $0x7, v5;
	v6 =	vand.u32 $0xFFFFFFF0, v6  }
0x278: {  	v5 =	vor.u32 v5, v6  }
0x279: {  	v6 =	vperm.xlane v5, v1;
	_ =	sdelay $0x1  }
0x27a: {  	v5 =	vperm.xlane v5, v3;
	v6 =	vadd.s32 v2, v6;
	_ =	sdelay $0x1  }
0x27b: {  	v5 =	vadd.s32 v2, v5;
	_ =	sdelay $0x2  }
0x27c: {  	[tilespmem:s4], [sflag:$0x1] =	stream.indirect_vreg.gather [hbm4b:s1+s3], $0x80, v6, vm0, $0xb8;
	[tilespmem:$0xA080] =	vst v63  }
0x27d: {  	_ = 	snop  }
0x27e: {  	[tilespmem:s5], [sflag:$0x1] =	stream.indirect_vreg.gather [hbm4b:s1+s3], $0x80, v5, vm0, $0xb8;
	[tilespmem:$0xA080] =	vst v63  }
0x27f: {  	v5 =	vld [tilespmem:$0x60];
	_ =	sdelay $0x4  }
0x280: {  	v6 =	vshll.u32 v5, $0x1  }
0x281: {  	v5 =	vand.u32 $0x7, v5;
	v6 =	vand.u32 $0xFFFFFFF0, v6  }
0x282: {  	v5 =	vor.u32 v5, v6  }
0x283: {  	v6 =	vperm.xlane v5, v1;
	_ =	sdelay $0x1  }
0x284: {  	v5 =	vperm.xlane v5, v3;
	v6 =	vadd.s32 v2, v6;
	_ =	sdelay $0x1  }
0x285: {  	v5 =	vadd.s32 v2, v5;
	_ =	sdelay $0x2  }
0x286: {  	[tilespmem:s6], [sflag:$0x1] =	stream.indirect_vreg.gather [hbm4b:s1+s3], $0x80, v6, vm0, $0xb8;
	[tilespmem:$0xA080] =	vst v63  }
0x287: {  	_ = 	snop  }
0x288: {  	[tilespmem:s7], [sflag:$0x1] =	stream.indirect_vreg.gather [hbm4b:s1+s3], $0x80, v5, vm0, $0xb8;
	[tilespmem:$0xA080] =	vst v63  }
0x289: {  	v5 =	vld [tilespmem:$0x70];
	_ =	sdelay $0x4  }
0x28a: {  	v6 =	vshll.u32 v5, $0x1  }
0x28b: {  	v5 =	vand.u32 $0x7, v5;
	v6 =	vand.u32 $0xFFFFFFF0, v6  }
0x28c: {  	v5 =	vor.u32 v5, v6  }
0x28d: {  	v6 =	vperm.xlane v5, v1;
	_ =	sdelay $0x1  }
0x28e: {  	v5 =	vperm.xlane v5, v3;
	v6 =	vadd.s32 v2, v6;
	_ =	sdelay $0x1  }
0x28f: {  	v5 =	vadd.s32 v2, v5;
	_ =	sdelay $0x2  }
0x290: {  	[tilespmem:s8], [sflag:$0x1] =	stream.indirect_vreg.gather [hbm4b:s1+s3], $0x80, v6, vm0, $0xb8;
	[tilespmem:$0xA080] =	vst v63  }
0x291: {  	_ = 	snop  }
0x292: {  	[tilespmem:s9], [sflag:$0x1] =	stream.indirect_vreg.gather [hbm4b:s1+s3], $0x80, v5, vm0, $0xb8;
	[tilespmem:$0xA080] =	vst v63  }
0x293: {  	_ =	swait.ge [sflag:s10], $0x8000  }
0x294: {  	[sflag:s10] =	ssyncset.done $0x0  }
0x295: {  	[sflag:s10] =	ssyncadd.s32 $0xFFFF8000  }
0x296: {  	[hbm4b:s15+s3] =	stream.linear.scatter [tilespmem:s23], [sflag:$0x2], $0x8000, $0x38;
	[tilespmem:$0xA080] =	vst v63  }
0x297: {  	_ =	swait.ge [sflag:s22], $0x8000  }
0x298: {  	[sflag:s22] =	ssyncset.done $0x0  }
0x299: {  	[sflag:s22] =	ssyncadd.s32 $0xFFFF8000  }
0x29a: {  	v5 =	vld [tilespmem:$0x0];
	_ =	sdelay $0x7  }
0x29b: {  	[tilespmem:v5+s11+$0x0] =	vst.idx.add.f32.msk $0xffff, v4  }
0x29c: {  	v5 =	vld [tilespmem:$0x10];
	_ =	sdelay $0x7  }
0x29d: {  	[tilespmem:v5+s11+$0x0] =	vst.idx.add.f32.msk $0xffff, v4  }
0x29e: {  	v5 =	vld [tilespmem:$0x20];
	_ =	sdelay $0x7  }
0x29f: {  	[tilespmem:v5+s11+$0x0] =	vst.idx.add.f32.msk $0xffff, v4  }
0x2a0: {  	v5 =	vld [tilespmem:$0x30];
	_ =	sdelay $0x7  }
0x2a1: {  	[tilespmem:v5+s11+$0x0] =	vst.idx.add.f32.msk $0xffff, v4  }
0x2a2: {  	v5 =	vld [tilespmem:$0x40];
	_ =	sdelay $0x7  }
0x2a3: {  	[tilespmem:v5+s11+$0x0] =	vst.idx.add.f32.msk $0xffff, v4  }
0x2a4: {  	v5 =	vld [tilespmem:$0x50];
	_ =	sdelay $0x7  }
0x2a5: {  	[tilespmem:v5+s11+$0x0] =	vst.idx.add.f32.msk $0xffff, v4  }
0x2a6: {  	v5 =	vld [tilespmem:$0x60];
	_ =	sdelay $0x7  }
0x2a7: {  	[tilespmem:v5+s11+$0x0] =	vst.idx.add.f32.msk $0xffff, v4  }
0x2a8: {  	v5 =	vld [tilespmem:$0x70];
	_ =	sdelay $0x7  }
0x2a9: {  	[tilespmem:v5+s11+$0x0] =	vst.idx.add.f32.msk $0xffff, v4  }
0x2aa: {  	[tilespmem:s3], [sflag:$0x2] =	stream.linear.gather [hbm4b:s16+s3], $0x80, $0x38;
	[tilespmem:$0xA080] =	vst v63  }
0x2ab: {  	_ =	swait.ge [sflag:s22], $0x80  }
0x2ac: {  	[sflag:s22] =	ssyncset.done $0x0  }
0x2ad: {  	[sflag:s22] =	ssyncadd.s32 $0xFFFFFF80  }
0x2ae: {  	v5 =	vld [tilespmem:$0x0];
	_ =	sdelay $0x4  }
0x2af: {  	v6 =	vshll.u32 v5, $0x1  }
0x2b0: {  	v5 =	vand.u32 $0x7, v5;
	v6 =	vand.u32 $0xFFFFFFF0, v6  }
0x2b1: {  	v5 =	vor.u32 v5, v6  }
0x2b2: {  	v6 =	vperm.xlane v5, v1;
	_ =	sdelay $0x1  }
0x2b3: {  	v5 =	vperm.xlane v5, v3;
	v6 =	vadd.s32 v2, v6;
	_ =	sdelay $0x1  }
0x2b4: {  	v5 =	vadd.s32 v2, v5;
	_ =	sdelay $0x2  }
0x2b5: {  	[tilespmem:s23], [sflag:$0x1] =	stream.indirect_vreg.gather [hbm4b:s1+s3], $0x80, v6, vm0, $0xb8;
	[tilespmem:$0xA080] =	vst v63  }
0x2b6: {  	_ = 	snop  }
0x2b7: {  	[tilespmem:s24], [sflag:$0x1] =	stream.indirect_vreg.gather [hbm4b:s1+s3], $0x80, v5, vm0, $0xb8;
	[tilespmem:$0xA080] =	vst v63  }
0x2b8: {  	v5 =	vld [tilespmem:$0x10];
	_ =	sdelay $0x4  }
0x2b9: {  	v6 =	vshll.u32 v5, $0x1  }
0x2ba: {  	v5 =	vand.u32 $0x7, v5;
	v6 =	vand.u32 $0xFFFFFFF0, v6  }
0x2bb: {  	v5 =	vor.u32 v5, v6  }
0x2bc: {  	v6 =	vperm.xlane v5, v1;
	_ =	sdelay $0x1  }
0x2bd: {  	v5 =	vperm.xlane v5, v3;
	v6 =	vadd.s32 v2, v6;
	_ =	sdelay $0x1  }
0x2be: {  	v5 =	vadd.s32 v2, v5;
	_ =	sdelay $0x2  }
0x2bf: {  	[tilespmem:s25], [sflag:$0x1] =	stream.indirect_vreg.gather [hbm4b:s1+s3], $0x80, v6, vm0, $0xb8;
	[tilespmem:$0xA080] =	vst v63  }
0x2c0: {  	_ = 	snop  }
0x2c1: {  	[tilespmem:s26], [sflag:$0x1] =	stream.indirect_vreg.gather [hbm4b:s1+s3], $0x80, v5, vm0, $0xb8;
	[tilespmem:$0xA080] =	vst v63  }
0x2c2: {  	v5 =	vld [tilespmem:$0x20];
	_ =	sdelay $0x4  }
0x2c3: {  	v6 =	vshll.u32 v5, $0x1  }
0x2c4: {  	v5 =	vand.u32 $0x7, v5;
	v6 =	vand.u32 $0xFFFFFFF0, v6  }
0x2c5: {  	v5 =	vor.u32 v5, v6  }
0x2c6: {  	v6 =	vperm.xlane v5, v1;
	_ =	sdelay $0x1  }
0x2c7: {  	v5 =	vperm.xlane v5, v3;
	v6 =	vadd.s32 v2, v6;
	_ =	sdelay $0x1  }
0x2c8: {  	v5 =	vadd.s32 v2, v5;
	_ =	sdelay $0x2  }
0x2c9: {  	[tilespmem:s28], [sflag:$0x1] =	stream.indirect_vreg.gather [hbm4b:s1+s3], $0x80, v6, vm0, $0xb8;
	[tilespmem:$0xA080] =	vst v63  }
0x2ca: {  	_ = 	snop  }
0x2cb: {  	[tilespmem:s29], [sflag:$0x1] =	stream.indirect_vreg.gather [hbm4b:s1+s3], $0x80, v5, vm0, $0xb8;
	[tilespmem:$0xA080] =	vst v63  }
0x2cc: {  	v5 =	vld [tilespmem:$0x30];
	_ =	sdelay $0x4  }
0x2cd: {  	v6 =	vshll.u32 v5, $0x1  }
0x2ce: {  	v5 =	vand.u32 $0x7, v5;
	v6 =	vand.u32 $0xFFFFFFF0, v6  }
0x2cf: {  	v5 =	vor.u32 v5, v6  }
0x2d0: {  	v6 =	vperm.xlane v5, v1;
	_ =	sdelay $0x1  }
0x2d1: {  	v5 =	vperm.xlane v5, v3;
	v6 =	vadd.s32 v2, v6;
	_ =	sdelay $0x1  }
0x2d2: {  	v5 =	vadd.s32 v2, v5;
	_ =	sdelay $0x2  }
0x2d3: {  	[tilespmem:s30], [sflag:$0x1] =	stream.indirect_vreg.gather [hbm4b:s1+s3], $0x80, v6, vm0, $0xb8;
	[tilespmem:$0xA080] =	vst v63  }
0x2d4: {  	_ = 	snop  }
0x2d5: {  	[tilespmem:s31], [sflag:$0x1] =	stream.indirect_vreg.gather [hbm4b:s1+s3], $0x80, v5, vm0, $0xb8;
	[tilespmem:$0xA080] =	vst v63  }
0x2d6: {  	v5 =	vld [tilespmem:$0x40];
	_ =	sdelay $0x4  }
0x2d7: {  	v6 =	vshll.u32 v5, $0x1  }
0x2d8: {  	v5 =	vand.u32 $0x7, v5;
	v6 =	vand.u32 $0xFFFFFFF0, v6  }
0x2d9: {  	v5 =	vor.u32 v5, v6  }
0x2da: {  	v6 =	vperm.xlane v5, v1;
	_ =	sdelay $0x1  }
0x2db: {  	v5 =	vperm.xlane v5, v3;
	v6 =	vadd.s32 v2, v6;
	_ =	sdelay $0x1  }
0x2dc: {  	v5 =	vadd.s32 v2, v5;
	_ =	sdelay $0x2  }
0x2dd: {  	[tilespmem:s2], [sflag:$0x1] =	stream.indirect_vreg.gather [hbm4b:s1+s3], $0x80, v6, vm0, $0xb8;
	[tilespmem:$0xA080] =	vst v63  }
0x2de: {  	_ = 	snop  }
0x2df: {  	[tilespmem:s0], [sflag:$0x1] =	stream.indirect_vreg.gather [hbm4b:s1+s3], $0x80, v5, vm0, $0xb8;
	[tilespmem:$0xA080] =	vst v63  }
0x2e0: {  	v5 =	vld [tilespmem:$0x50];
	_ =	sdelay $0x4  }
0x2e1: {  	v6 =	vshll.u32 v5, $0x1  }
0x2e2: {  	v5 =	vand.u32 $0x7, v5;
	v6 =	vand.u32 $0xFFFFFFF0, v6  }
0x2e3: {  	v5 =	vor.u32 v5, v6  }
0x2e4: {  	v6 =	vperm.xlane v5, v1;
	_ =	sdelay $0x1  }
0x2e5: {  	v5 =	vperm.xlane v5, v3;
	v6 =	vadd.s32 v2, v6;
	_ =	sdelay $0x1  }
0x2e6: {  	v5 =	vadd.s32 v2, v5;
	_ =	sdelay $0x2  }
0x2e7: {  	[tilespmem:s4], [sflag:$0x1] =	stream.indirect_vreg.gather [hbm4b:s1+s3], $0x80, v6, vm0, $0xb8;
	[tilespmem:$0xA080] =	vst v63  }
0x2e8: {  	_ = 	snop  }
0x2e9: {  	[tilespmem:s5], [sflag:$0x1] =	stream.indirect_vreg.gather [hbm4b:s1+s3], $0x80, v5, vm0, $0xb8;
	[tilespmem:$0xA080] =	vst v63  }
0x2ea: {  	v5 =	vld [tilespmem:$0x60];
	_ =	sdelay $0x4  }
0x2eb: {  	v6 =	vshll.u32 v5, $0x1  }
0x2ec: {  	v5 =	vand.u32 $0x7, v5;
	v6 =	vand.u32 $0xFFFFFFF0, v6  }
0x2ed: {  	v5 =	vor.u32 v5, v6  }
0x2ee: {  	v6 =	vperm.xlane v5, v1;
	_ =	sdelay $0x1  }
0x2ef: {  	v5 =	vperm.xlane v5, v3;
	v6 =	vadd.s32 v2, v6;
	_ =	sdelay $0x1  }
0x2f0: {  	v5 =	vadd.s32 v2, v5;
	_ =	sdelay $0x2  }
0x2f1: {  	[tilespmem:s6], [sflag:$0x1] =	stream.indirect_vreg.gather [hbm4b:s1+s3], $0x80, v6, vm0, $0xb8;
	[tilespmem:$0xA080] =	vst v63  }
0x2f2: {  	_ = 	snop  }
0x2f3: {  	[tilespmem:s7], [sflag:$0x1] =	stream.indirect_vreg.gather [hbm4b:s1+s3], $0x80, v5, vm0, $0xb8;
	[tilespmem:$0xA080] =	vst v63  }
0x2f4: {  	v5 =	vld [tilespmem:$0x70];
	_ =	sdelay $0x4  }
0x2f5: {  	v6 =	vshll.u32 v5, $0x1  }
0x2f6: {  	v5 =	vand.u32 $0x7, v5;
	v6 =	vand.u32 $0xFFFFFFF0, v6  }
0x2f7: {  	v5 =	vor.u32 v5, v6  }
0x2f8: {  	v6 =	vperm.xlane v5, v1;
	_ =	sdelay $0x1  }
0x2f9: {  	v5 =	vperm.xlane v5, v3;
	v6 =	vadd.s32 v2, v6;
	_ =	sdelay $0x1  }
0x2fa: {  	v5 =	vadd.s32 v2, v5;
	_ =	sdelay $0x2  }
0x2fb: {  	[tilespmem:s8], [sflag:$0x1] =	stream.indirect_vreg.gather [hbm4b:s1+s3], $0x80, v6, vm0, $0xb8;
	[tilespmem:$0xA080] =	vst v63  }
0x2fc: {  	_ = 	snop  }
0x2fd: {  	[tilespmem:s9], [sflag:$0x1] =	stream.indirect_vreg.gather [hbm4b:s1+s3], $0x80, v5, vm0, $0xb8;
	[tilespmem:$0xA080] =	vst v63  }
0x2fe: {  	_ =	swait.ge [sflag:s10], $0x8000  }
0x2ff: {  	[sflag:s10] =	ssyncset.done $0x0  }
0x300: {  	[sflag:s10] =	ssyncadd.s32 $0xFFFF8000  }
0x301: {  	[hbm4b:s17+s3] =	stream.linear.scatter [tilespmem:s23], [sflag:$0x2], $0x8000, $0x38;
	[tilespmem:$0xA080] =	vst v63  }
0x302: {  	_ =	swait.ge [sflag:s22], $0x8000  }
0x303: {  	[sflag:s22] =	ssyncset.done $0x0  }
0x304: {  	[sflag:s22] =	ssyncadd.s32 $0xFFFF8000  }
0x305: {  	v5 =	vld [tilespmem:$0x0];
	_ =	sdelay $0x7  }
0x306: {  	[tilespmem:v5+s11+$0x0] =	vst.idx.add.f32.msk $0xffff, v4  }
0x307: {  	v5 =	vld [tilespmem:$0x10];
	_ =	sdelay $0x7  }
0x308: {  	[tilespmem:v5+s11+$0x0] =	vst.idx.add.f32.msk $0xffff, v4  }
0x309: {  	v5 =	vld [tilespmem:$0x20];
	_ =	sdelay $0x7  }
0x30a: {  	[tilespmem:v5+s11+$0x0] =	vst.idx.add.f32.msk $0xffff, v4  }
0x30b: {  	v5 =	vld [tilespmem:$0x30];
	_ =	sdelay $0x7  }
0x30c: {  	[tilespmem:v5+s11+$0x0] =	vst.idx.add.f32.msk $0xffff, v4  }
0x30d: {  	v5 =	vld [tilespmem:$0x40];
	_ =	sdelay $0x7  }
0x30e: {  	[tilespmem:v5+s11+$0x0] =	vst.idx.add.f32.msk $0xffff, v4  }
0x30f: {  	v5 =	vld [tilespmem:$0x50];
	_ =	sdelay $0x7  }
0x310: {  	[tilespmem:v5+s11+$0x0] =	vst.idx.add.f32.msk $0xffff, v4  }
0x311: {  	v5 =	vld [tilespmem:$0x60];
	_ =	sdelay $0x7  }
0x312: {  	[tilespmem:v5+s11+$0x0] =	vst.idx.add.f32.msk $0xffff, v4  }
0x313: {  	v5 =	vld [tilespmem:$0x70];
	_ =	sdelay $0x7  }
0x314: {  	[tilespmem:v5+s11+$0x0] =	vst.idx.add.f32.msk $0xffff, v4  }
0x315: {  	[tilespmem:s3], [sflag:$0x2] =	stream.linear.gather [hbm4b:s18+s3], $0x80, $0x38;
	[tilespmem:$0xA080] =	vst v63  }
0x316: {  	_ =	swait.ge [sflag:s22], $0x80  }
0x317: {  	[sflag:s22] =	ssyncset.done $0x0  }
0x318: {  	[sflag:s22] =	ssyncadd.s32 $0xFFFFFF80  }
0x319: {  	v5 =	vld [tilespmem:$0x0];
	_ =	sdelay $0x4  }
0x31a: {  	v6 =	vshll.u32 v5, $0x1  }
0x31b: {  	v5 =	vand.u32 $0x7, v5;
	v6 =	vand.u32 $0xFFFFFFF0, v6  }
0x31c: {  	v5 =	vor.u32 v5, v6  }
0x31d: {  	v6 =	vperm.xlane v5, v1;
	_ =	sdelay $0x1  }
0x31e: {  	v5 =	vperm.xlane v5, v3;
	v6 =	vadd.s32 v2, v6;
	_ =	sdelay $0x1  }
0x31f: {  	v5 =	vadd.s32 v2, v5;
	_ =	sdelay $0x2  }
0x320: {  	[tilespmem:s23], [sflag:$0x1] =	stream.indirect_vreg.gather [hbm4b:s1+s3], $0x80, v6, vm0, $0xb8;
	[tilespmem:$0xA080] =	vst v63  }
0x321: {  	_ = 	snop  }
0x322: {  	[tilespmem:s24], [sflag:$0x1] =	stream.indirect_vreg.gather [hbm4b:s1+s3], $0x80, v5, vm0, $0xb8;
	[tilespmem:$0xA080] =	vst v63  }
0x323: {  	v5 =	vld [tilespmem:$0x10];
	_ =	sdelay $0x4  }
0x324: {  	v6 =	vshll.u32 v5, $0x1  }
0x325: {  	v5 =	vand.u32 $0x7, v5;
	v6 =	vand.u32 $0xFFFFFFF0, v6  }
0x326: {  	v5 =	vor.u32 v5, v6  }
0x327: {  	v6 =	vperm.xlane v5, v1;
	_ =	sdelay $0x1  }
0x328: {  	v5 =	vperm.xlane v5, v3;
	v6 =	vadd.s32 v2, v6;
	_ =	sdelay $0x1  }
0x329: {  	v5 =	vadd.s32 v2, v5;
	_ =	sdelay $0x2  }
0x32a: {  	[tilespmem:s25], [sflag:$0x1] =	stream.indirect_vreg.gather [hbm4b:s1+s3], $0x80, v6, vm0, $0xb8;
	[tilespmem:$0xA080] =	vst v63  }
0x32b: {  	_ = 	snop  }
0x32c: {  	[tilespmem:s26], [sflag:$0x1] =	stream.indirect_vreg.gather [hbm4b:s1+s3], $0x80, v5, vm0, $0xb8;
	[tilespmem:$0xA080] =	vst v63  }
0x32d: {  	v5 =	vld [tilespmem:$0x20];
	_ =	sdelay $0x4  }
0x32e: {  	v6 =	vshll.u32 v5, $0x1  }
0x32f: {  	v5 =	vand.u32 $0x7, v5;
	v6 =	vand.u32 $0xFFFFFFF0, v6  }
0x330: {  	v5 =	vor.u32 v5, v6  }
0x331: {  	v6 =	vperm.xlane v5, v1;
	_ =	sdelay $0x1  }
0x332: {  	v5 =	vperm.xlane v5, v3;
	v6 =	vadd.s32 v2, v6;
	_ =	sdelay $0x1  }
0x333: {  	v5 =	vadd.s32 v2, v5;
	_ =	sdelay $0x2  }
0x334: {  	[tilespmem:s28], [sflag:$0x1] =	stream.indirect_vreg.gather [hbm4b:s1+s3], $0x80, v6, vm0, $0xb8;
	[tilespmem:$0xA080] =	vst v63  }
0x335: {  	_ = 	snop  }
0x336: {  	[tilespmem:s29], [sflag:$0x1] =	stream.indirect_vreg.gather [hbm4b:s1+s3], $0x80, v5, vm0, $0xb8;
	[tilespmem:$0xA080] =	vst v63  }
0x337: {  	v5 =	vld [tilespmem:$0x30];
	_ =	sdelay $0x4  }
0x338: {  	v6 =	vshll.u32 v5, $0x1  }
0x339: {  	v5 =	vand.u32 $0x7, v5;
	v6 =	vand.u32 $0xFFFFFFF0, v6  }
0x33a: {  	v5 =	vor.u32 v5, v6  }
0x33b: {  	v6 =	vperm.xlane v5, v1;
	_ =	sdelay $0x1  }
0x33c: {  	v5 =	vperm.xlane v5, v3;
	v6 =	vadd.s32 v2, v6;
	_ =	sdelay $0x1  }
0x33d: {  	v5 =	vadd.s32 v2, v5;
	_ =	sdelay $0x2  }
0x33e: {  	[tilespmem:s30], [sflag:$0x1] =	stream.indirect_vreg.gather [hbm4b:s1+s3], $0x80, v6, vm0, $0xb8;
	[tilespmem:$0xA080] =	vst v63  }
0x33f: {  	_ = 	snop  }
0x340: {  	[tilespmem:s31], [sflag:$0x1] =	stream.indirect_vreg.gather [hbm4b:s1+s3], $0x80, v5, vm0, $0xb8;
	[tilespmem:$0xA080] =	vst v63  }
0x341: {  	v5 =	vld [tilespmem:$0x40];
	_ =	sdelay $0x4  }
0x342: {  	v6 =	vshll.u32 v5, $0x1  }
0x343: {  	v5 =	vand.u32 $0x7, v5;
	v6 =	vand.u32 $0xFFFFFFF0, v6  }
0x344: {  	v5 =	vor.u32 v5, v6  }
0x345: {  	v6 =	vperm.xlane v5, v1;
	_ =	sdelay $0x1  }
0x346: {  	v5 =	vperm.xlane v5, v3;
	v6 =	vadd.s32 v2, v6;
	_ =	sdelay $0x1  }
0x347: {  	v5 =	vadd.s32 v2, v5;
	_ =	sdelay $0x2  }
0x348: {  	[tilespmem:s2], [sflag:$0x1] =	stream.indirect_vreg.gather [hbm4b:s1+s3], $0x80, v6, vm0, $0xb8;
	[tilespmem:$0xA080] =	vst v63  }
0x349: {  	_ = 	snop  }
0x34a: {  	[tilespmem:s0], [sflag:$0x1] =	stream.indirect_vreg.gather [hbm4b:s1+s3], $0x80, v5, vm0, $0xb8;
	[tilespmem:$0xA080] =	vst v63  }
0x34b: {  	v5 =	vld [tilespmem:$0x50];
	_ =	sdelay $0x4  }
0x34c: {  	v6 =	vshll.u32 v5, $0x1  }
0x34d: {  	v5 =	vand.u32 $0x7, v5;
	v6 =	vand.u32 $0xFFFFFFF0, v6  }
0x34e: {  	v5 =	vor.u32 v5, v6  }
0x34f: {  	v6 =	vperm.xlane v5, v1;
	_ =	sdelay $0x1  }
0x350: {  	v5 =	vperm.xlane v5, v3;
	v6 =	vadd.s32 v2, v6;
	_ =	sdelay $0x1  }
0x351: {  	v5 =	vadd.s32 v2, v5;
	_ =	sdelay $0x2  }
0x352: {  	[tilespmem:s4], [sflag:$0x1] =	stream.indirect_vreg.gather [hbm4b:s1+s3], $0x80, v6, vm0, $0xb8;
	[tilespmem:$0xA080] =	vst v63  }
0x353: {  	_ = 	snop  }
0x354: {  	[tilespmem:s5], [sflag:$0x1] =	stream.indirect_vreg.gather [hbm4b:s1+s3], $0x80, v5, vm0, $0xb8;
	[tilespmem:$0xA080] =	vst v63  }
0x355: {  	v5 =	vld [tilespmem:$0x60];
	_ =	sdelay $0x4  }
0x356: {  	v6 =	vshll.u32 v5, $0x1  }
0x357: {  	v5 =	vand.u32 $0x7, v5;
	v6 =	vand.u32 $0xFFFFFFF0, v6  }
0x358: {  	v5 =	vor.u32 v5, v6  }
0x359: {  	v6 =	vperm.xlane v5, v1;
	_ =	sdelay $0x1  }
0x35a: {  	v5 =	vperm.xlane v5, v3;
	v6 =	vadd.s32 v2, v6;
	_ =	sdelay $0x1  }
0x35b: {  	v5 =	vadd.s32 v2, v5;
	_ =	sdelay $0x2  }
0x35c: {  	[tilespmem:s6], [sflag:$0x1] =	stream.indirect_vreg.gather [hbm4b:s1+s3], $0x80, v6, vm0, $0xb8;
	[tilespmem:$0xA080] =	vst v63  }
0x35d: {  	_ = 	snop  }
0x35e: {  	[tilespmem:s7], [sflag:$0x1] =	stream.indirect_vreg.gather [hbm4b:s1+s3], $0x80, v5, vm0, $0xb8;
	[tilespmem:$0xA080] =	vst v63  }
0x35f: {  	v5 =	vld [tilespmem:$0x70];
	_ =	sdelay $0x4  }
0x360: {  	v6 =	vshll.u32 v5, $0x1  }
0x361: {  	v5 =	vand.u32 $0x7, v5;
	v6 =	vand.u32 $0xFFFFFFF0, v6  }
0x362: {  	v5 =	vor.u32 v5, v6  }
0x363: {  	v6 =	vperm.xlane v5, v1;
	_ =	sdelay $0x1  }
0x364: {  	v5 =	vperm.xlane v5, v3;
	v6 =	vadd.s32 v2, v6;
	_ =	sdelay $0x1  }
0x365: {  	v5 =	vadd.s32 v2, v5;
	_ =	sdelay $0x2  }
0x366: {  	[tilespmem:s8], [sflag:$0x1] =	stream.indirect_vreg.gather [hbm4b:s1+s3], $0x80, v6, vm0, $0xb8;
	[tilespmem:$0xA080] =	vst v63  }
0x367: {  	_ = 	snop  }
0x368: {  	[tilespmem:s9], [sflag:$0x1] =	stream.indirect_vreg.gather [hbm4b:s1+s3], $0x80, v5, vm0, $0xb8;
	[tilespmem:$0xA080] =	vst v63  }
0x369: {  	_ =	swait.ge [sflag:s10], $0x8000  }
0x36a: {  	[sflag:s10] =	ssyncset.done $0x0  }
0x36b: {  	[sflag:s10] =	ssyncadd.s32 $0xFFFF8000  }
0x36c: {  	[hbm4b:s19+s3] =	stream.linear.scatter [tilespmem:s23], [sflag:$0x2], $0x8000, $0x38;
	[tilespmem:$0xA080] =	vst v63  }
0x36d: {  	_ =	swait.ge [sflag:s22], $0x8000  }
0x36e: {  	[sflag:s22] =	ssyncset.done $0x0  }
0x36f: {  	[sflag:s22] =	ssyncadd.s32 $0xFFFF8000  }
0x370: {  	v5 =	vld [tilespmem:$0x0];
	_ =	sdelay $0x7  }
0x371: {  	[tilespmem:v5+s11+$0x0] =	vst.idx.add.f32.msk $0xffff, v4  }
0x372: {  	v5 =	vld [tilespmem:$0x10];
	_ =	sdelay $0x7  }
0x373: {  	[tilespmem:v5+s11+$0x0] =	vst.idx.add.f32.msk $0xffff, v4  }
0x374: {  	v5 =	vld [tilespmem:$0x20];
	_ =	sdelay $0x7  }
0x375: {  	[tilespmem:v5+s11+$0x0] =	vst.idx.add.f32.msk $0xffff, v4  }
0x376: {  	v5 =	vld [tilespmem:$0x30];
	_ =	sdelay $0x7  }
0x377: {  	[tilespmem:v5+s11+$0x0] =	vst.idx.add.f32.msk $0xffff, v4  }
0x378: {  	v5 =	vld [tilespmem:$0x40];
	_ =	sdelay $0x7  }
0x379: {  	[tilespmem:v5+s11+$0x0] =	vst.idx.add.f32.msk $0xffff, v4  }
0x37a: {  	v5 =	vld [tilespmem:$0x50];
	_ =	sdelay $0x7  }
0x37b: {  	[tilespmem:v5+s11+$0x0] =	vst.idx.add.f32.msk $0xffff, v4  }
0x37c: {  	v5 =	vld [tilespmem:$0x60];
	_ =	sdelay $0x7  }
0x37d: {  	[tilespmem:v5+s11+$0x0] =	vst.idx.add.f32.msk $0xffff, v4  }
0x37e: {  	v5 =	vld [tilespmem:$0x70];
	_ =	sdelay $0x5  }
0x37f: {  	s12 =	sadd.s32 $0x1, s12  }
0x380: {  	p0 =	sne.s32 s12, s21  }
.Ltmp1:
0x381: {  	s14 =	simm.s32 $0x400;
	[tilespmem:v5+s11+$0x0] =	vst.idx.add.f32.msk $0xffff, v4;
	(pc) =	sbr.rel @p0 .LBB2_1-.Ltmp1, $4  }
0x382: {  	[hbm4b:s20+s23] =	stream.strided.scatter [tilespmem:s11], [sflag:$0x2], $0x2000, s14, s23, $0x38;
	[tilespmem:$0xA080] =	vst v63  }
0x383: {  	_ =	swait.ge [sflag:s22], $0x2000  }
0x384: {  	[sflag:s22] =	ssyncset.done $0x0  }
0x385: {  	[sflag:s22] =	ssyncadd.s32 $0xFFFFE000  }
0x386: {  	_ =	sfence.sel $0x180000  }
0x387: {  	[bflag:$0x0] =	sbarrier.arrive $0xFFFF  }
0x388: {  	_ =	strace $0x90000047  }
0x389: {  	s0 =	stileid.u32;
	[bflag:$0x2] =	sbarrier.arrive $0xFFFF  }
0x38a: {  	p0 =	sne.s32 s0, $0x0;
	s0 =	rddreg [dreg:$0x4]  }
0x38b: {  	s0 =	sadd.s32 @!p0 $0x100000, s0  }
0x38c: {  	[sflag:s0] =	ssyncadd.tile.s32 @!p0 $0x1;
	_ =	shalt  }
.Lfunc_end2:
_tile_overlayer_lowered:
.L_overlay_start_2:
0x38d: {  	(tag) =	ssettag $0x2  }
0x38e: {  	s0 =	rddreg [dreg:$0x0];
	s2 =	stileid.u32  }
0x38f: {  	s1 =	rddreg [dreg:$0x1];
	p0 =	sne.s32 s2, $0x0  }
0x390: {  	s3 =	rddreg [dreg:$0x2];
	[bflag:$0x3] =	sbarrier.arrive $0xFFFF;
	s2 =	simm.s32 @!p0 $0x1C02  }
0x391: {  	[timem:s3], [sflag:s2] =	dma.local @!p0 [hbm:s0], s1  }
0x392: {  	s0 =	simm.s32 @!p0 $0x2  }
0x393: {  	_ =	swait.ge @!p0 [sflag:s0], s1  }
0x394: {  	s1 =	ssub.s32 @!p0 $0x0, s1;
	[sflag:s0] =	ssyncset.done @!p0 $0x0  }
0x395: {  	[sflag:s0] =	ssyncadd.s32 @!p0 s1  }
0x396: {  	[bflag:$0x3] =	sbarrier.arrive $0xFFFF  }
0x397: {  	_ =	shalt  }

</sc_bundles>
